<compile_context>
chip_gen: v7x
topology: tpu7x:2x2x1
jax: 0.10.2.dev20260603
libtpu: 0.0.44.dev20260713+nightly
codegen_flags: <defaults>
</compile_context>

<pallas_src>
import jax
import jax.numpy as jnp
from jax.experimental import pallas as pl

_PRE_NMS_THRESH = 0.05
_PRE_NMS_TOP_N = 1000
_NMS_THRESH = 0.6
_POST_TOP_N = 100


def _score_kernel(cls_ref, cn_ref, out_ref):
    cls_s = jax.nn.sigmoid(cls_ref[0])
    cn_s = jax.nn.sigmoid(cn_ref[0])
    s = cls_s * cn_s
    out_ref[0] = jnp.where(cls_s > _PRE_NMS_THRESH, s, -1.0)


def _nms_kernel(d_ref, out_ref):
    x1 = d_ref[0]
    y1 = d_ref[1]
    x2 = d_ref[2]
    y2 = d_ref[3]
    ts = d_ref[4]
    K = x1.shape[1]

    w = x2 - x1
    h = y2 - y1
    valid = (ts > 0.0) & (w >= 0.0) & (h >= 0.0)
    sc = jnp.sqrt(jnp.clip(ts, 1e-12))
    sc = jnp.where(valid, sc, 0.0)
    area = jnp.clip(w, 0.0) * jnp.clip(h, 0.0)
    col = jax.lax.broadcasted_iota(jnp.int32, (1, K), 1)
    neg = -1e30

    def body(i, keep):
        sel = col == i
        xi1 = jnp.max(jnp.where(sel, x1, neg), axis=1, keepdims=True)
        yi1 = jnp.max(jnp.where(sel, y1, neg), axis=1, keepdims=True)
        xi2 = jnp.max(jnp.where(sel, x2, neg), axis=1, keepdims=True)
        yi2 = jnp.max(jnp.where(sel, y2, neg), axis=1, keepdims=True)
        ai = jnp.max(jnp.where(sel, area, neg), axis=1, keepdims=True)
        ki = jnp.max(jnp.where(sel, keep, 0.0), axis=1, keepdims=True)
        iw = jnp.clip(jnp.minimum(xi2, x2) - jnp.maximum(xi1, x1), 0.0)
        ih = jnp.clip(jnp.minimum(yi2, y2) - jnp.maximum(yi1, y1), 0.0)
        inter = iw * ih
        union = ai + area - inter
        iou = inter / jnp.maximum(union, 1e-9)
        suppress = (ki > 0.0) & (iou > _NMS_THRESH) & (col > i)
        return jnp.where(suppress, 0.0, keep)

    keep = jax.lax.fori_loop(0, K, body, jnp.ones_like(ts))
    out_ref[0] = jnp.where(
        (keep > 0.0) & valid & (sc >= _PRE_NMS_THRESH), sc, 0.0
    )


def kernel(locations, cls_preds, reg_preds, cness_preds, image_size):
    B, N, C = cls_preds.shape
    R = 2000

    scores3d = pl.pallas_call(
        _score_kernel,
        grid=(B, N // R),
        in_specs=[
            pl.BlockSpec((1, R, C), lambda b, i: (b, i, 0)),
            pl.BlockSpec((1, R, 1), lambda b, i: (b, i, 0)),
        ],
        out_specs=pl.BlockSpec((1, R, C), lambda b, i: (b, i, 0)),
        out_shape=jax.ShapeDtypeStruct((B, N, C), jnp.float32),
    )(cls_preds, cness_preds)

    loc_max = jnp.max(scores3d, axis=2)
    _, loc_sel = jax.lax.approx_max_k(loc_max, _PRE_NMS_TOP_N, recall_target=1.0)
    rows = jnp.take_along_axis(scores3d, loc_sel[..., None], axis=1)
    top_scores, g = jax.lax.approx_max_k(rows.reshape(B, -1), _PRE_NMS_TOP_N, recall_target=1.0)
    loc_idx = jnp.take_along_axis(loc_sel, g // C, axis=1)
    labels = g % C + 1

    locs = locations[loc_idx]
    regs = jnp.take_along_axis(reg_preds, loc_idx[..., None], axis=1)
    img = jnp.asarray(image_size, jnp.float32)
    x1 = jnp.clip(locs[..., 0] - regs[..., 0], 0.0, img)
    y1 = jnp.clip(locs[..., 1] - regs[..., 1], 0.0, img)
    x2 = jnp.clip(locs[..., 0] + regs[..., 2], 0.0, img)
    y2 = jnp.clip(locs[..., 1] + regs[..., 3], 0.0, img)
    z = jnp.zeros_like(x1)
    packed = jnp.stack([x1, y1, x2, y2, top_scores, z, z, z], axis=0)

    final = pl.pallas_call(
        _nms_kernel,
        grid=(1,),
        in_specs=[pl.BlockSpec((8, B, _PRE_NMS_TOP_N), lambda i: (0, 0, 0))],
        out_specs=pl.BlockSpec((1, B, _PRE_NMS_TOP_N), lambda i: (0, 0, 0)),
        out_shape=jax.ShapeDtypeStruct((1, B, _PRE_NMS_TOP_N), jnp.float32),
    )(packed)[0]

    out_scores, pick = jax.lax.top_k(final, _POST_TOP_N)
    boxes = jnp.stack([x1, y1, x2, y2], axis=-1)
    out_boxes = jnp.take_along_axis(boxes, pick[..., None], axis=1)
    out_labels = jnp.where(
        out_scores > 0.0, jnp.take_along_axis(labels, pick, axis=1), 0
    )
    return out_boxes, out_scores, out_labels

# --- scband reference (transcript-rebuilt; emitter-appended) ---
"""Pipeline reference for scband-fcospost-processor-30528627540293 (READ-ONLY COPY).

The authoritative reference and input builder live on the scoring server;
editing this copy changes nothing except your own understanding.
"""

import jax, jax.numpy as jnp
import numpy as np

PRE_NMS_THRESH = 0.05
PRE_NMS_TOP_N = 1000
NMS_THRESH = 0.6
FPN_POST_NMS_TOP_N = 100
MIN_SIZE = 0.0
NUM_CLASSES = 80


def setup_inputs(seed: int = 0):
    key = jax.random.key(seed)
    k1, k2, k3, k4 = jax.random.split(key, 4)
    B, N, C = 4, 20000, NUM_CLASSES
    image_size = 1024
    locations = jax.random.uniform(k1, (N, 2), dtype=jnp.float32) * image_size
    cls_preds = jax.random.normal(k2, (B, N, C), dtype=jnp.float32)
    reg_preds = jax.random.uniform(k3, (B, N, 4), dtype=jnp.float32) * 64.0
    cness_preds = jax.random.normal(k4, (B, N, 1), dtype=jnp.float32)
    return {"locations": locations, "cls_preds": cls_preds, "reg_preds": reg_preds, "cness_preds": cness_preds, "image_size": image_size}


def _pairwise_iou(boxes):
    x1, y1, x2, y2 = boxes[:, 0], boxes[:, 1], boxes[:, 2], boxes[:, 3]
    area = jnp.clip(x2 - x1, 0.0) * jnp.clip(y2 - y1, 0.0)
    xx1 = jnp.maximum(x1[:, None], x1[None, :])
    yy1 = jnp.maximum(y1[:, None], y1[None, :])
    xx2 = jnp.minimum(x2[:, None], x2[None, :])
    yy2 = jnp.minimum(y2[:, None], y2[None, :])
    inter = jnp.clip(xx2 - xx1, 0.0) * jnp.clip(yy2 - yy1, 0.0)
    union = area[:, None] + area[None, :] - inter
    return inter / jnp.maximum(union, 1e-9)


def _nms_keep(boxes, thresh):
    K = boxes.shape[0]
    iou = _pairwise_iou(boxes)
    idx = jnp.arange(K)

    def body(i, keep):
        suppress = keep[i] & (iou[i] > thresh) & (idx > i)
        return keep & jnp.logical_not(suppress)

    return jax.lax.fori_loop(0, K, body, jnp.ones((K,), dtype=bool))


def _per_image(locations, cls_p, reg_p, cness_p, image_size):
    N, C = cls_p.shape
    cls_s = jax.nn.sigmoid(cls_p)
    cness_s = jax.nn.sigmoid(cness_p)
    candidate = cls_s > PRE_NMS_THRESH
    scores = cls_s * cness_s
    flat = jnp.where(candidate, scores, -1.0).reshape(-1)
    top_scores, top_idx = jax.lax.top_k(flat, PRE_NMS_TOP_N)
    loc_idx = top_idx // C
    labels = top_idx % C + 1
    valid = top_scores > 0.0
    locs = locations[loc_idx]
    regs = reg_p[loc_idx]
    boxes = jnp.stack([locs[:, 0] - regs[:, 0], locs[:, 1] - regs[:, 1], locs[:, 0] + regs[:, 2], locs[:, 1] + regs[:, 3]], axis=1)
    boxes = jnp.clip(boxes, 0.0, jnp.asarray(image_size, jnp.float32))
    w = boxes[:, 2] - boxes[:, 0]
    h = boxes[:, 3] - boxes[:, 1]
    valid = valid & (w >= MIN_SIZE) & (h >= MIN_SIZE)
    sc = jnp.sqrt(jnp.clip(top_scores, 1e-12))
    sc = jnp.where(valid, sc, 0.0)
    order = jnp.argsort(-sc)
    boxes_o = boxes[order]
    sc_o = sc[order]
    labels_o = labels[order]
    valid_o = valid[order]
    keep = _nms_keep(jax.lax.stop_gradient(boxes_o), NMS_THRESH) & valid_o & (sc_o >= PRE_NMS_THRESH)
    final_sc = jnp.where(keep, sc_o, 0.0)
    out_scores, pick = jax.lax.top_k(final_sc, FPN_POST_NMS_TOP_N)
    out_boxes = boxes_o[pick]
    out_labels = jnp.where(out_scores > 0.0, labels_o[pick], 0)
    return out_boxes, out_scores, out_labels


def reference(locations, cls_preds, reg_preds, cness_preds, image_size):
    fn = lambda c, r, cn: _per_image(locations, c, r, cn, image_size)
    boxes, scores, labels = jax.vmap(fn)(cls_preds, reg_preds, cness_preds)
    return boxes, scores, labels

if __name__ == "__main__":
    import jax
    _d = setup_inputs()
    print(jax.jit(kernel)(*tuple(_d.values())))

</pallas_src>

<mosaic_0001>
module attributes {stable_mosaic.version = 14 : i64} {
  func.func @_score_kernel(%arg0: i32, %arg1: i32, %arg2: memref<1x2000x80xf32, #tpu.memory_space<vmem>>, %arg3: memref<1x2000x1xf32, #tpu.memory_space<vmem>>, %arg4: memref<1x2000x80xf32, #tpu.memory_space<vmem>>) attributes {dimension_semantics = [#tpu.dimension_semantics<arbitrary>, #tpu.dimension_semantics<arbitrary>], iteration_bounds = array<i64: 4, 10>, scalar_prefetch = 0 : i64, scratch_operands = 0 : i64, tpu.core_type = #tpu.core_type<tc>, window_params = [{transform_indices = @transform_0, window_bounds = array<i64: 1, 2000, 80>}, {transform_indices = @transform_1, window_bounds = array<i64: 1, 2000, 1>}, {transform_indices = @transform_2, window_bounds = array<i64: 1, 2000, 80>}]} {
    %get3A = arith.constant 0 : index
    %get3A_0 = arith.constant 0 : index
    %get3A_1 = arith.constant 0 : index
    %get3A_2 = vector.load %arg2[%get3A, %get3A_0, %get3A_1] : memref<1x2000x80xf32, #tpu.memory_space<vmem>>, vector<1x2000x80xf32>
    %get3A_3 = vector.shape_cast %get3A_2 : vector<1x2000x80xf32> to vector<2000x80xf32>
    %logistic3A = arith.negf %get3A_3 : vector<2000x80xf32>
    %logistic3A_4 = math.exp %logistic3A : vector<2000x80xf32>
    %logistic3A_5 = arith.constant 1.000000e+00 : f32
    %logistic3A_6 = vector.broadcast %logistic3A_5 : f32 to vector<2000x80xf32>
    %logistic3A_7 = arith.addf %logistic3A_6, %logistic3A_4 : vector<2000x80xf32>
    %logistic3A_8 = arith.divf %logistic3A_6, %logistic3A_7 : vector<2000x80xf32>
    %get3A_9 = arith.constant 0 : index
    %get3A_10 = arith.constant 0 : index
    %get3A_11 = arith.constant 0 : index
    %get3A_12 = vector.load %arg3[%get3A_9, %get3A_10, %get3A_11] : memref<1x2000x1xf32, #tpu.memory_space<vmem>>, vector<1x2000x1xf32>
    %get3A_13 = vector.shape_cast %get3A_12 : vector<1x2000x1xf32> to vector<2000x1xf32>
    %logistic3A_14 = arith.negf %get3A_13 : vector<2000x1xf32>
    %logistic3A_15 = math.exp %logistic3A_14 : vector<2000x1xf32>
    %logistic3A_16 = arith.constant 1.000000e+00 : f32
    %logistic3A_17 = vector.broadcast %logistic3A_16 : f32 to vector<2000x1xf32>
    %logistic3A_18 = arith.addf %logistic3A_17, %logistic3A_15 : vector<2000x1xf32>
    %logistic3A_19 = arith.divf %logistic3A_17, %logistic3A_18 : vector<2000x1xf32>
    %mul3A = vector.broadcast %logistic3A_19 : vector<2000x1xf32> to vector<2000x80xf32>
    %mul3A_20 = arith.mulf %logistic3A_8, %mul3A : vector<2000x80xf32>
    %gt3A = arith.constant 5.000000e-02 : f32
    %gt3A_21 = vector.broadcast %gt3A : f32 to vector<2000x80xf32>
    %gt3A_22 = arith.cmpf ogt, %logistic3A_8, %gt3A_21 : vector<2000x80xf32>
    %jit3A = arith.constant -1.000000e+00 : f32
    %broadcast_in_dim3A = vector.broadcast %jit3A : f32 to vector<2000x80xf32>
    %select_n3A = arith.select %gt3A_22, %mul3A_20, %broadcast_in_dim3A : vector<2000x80xi1>, vector<2000x80xf32>
    %swap3A = arith.constant 0 : index
    %swap3A_23 = arith.constant 0 : index
    %swap3A_24 = arith.constant 0 : index
    %swap3A_25 = vector.load %arg4[%swap3A, %swap3A_23, %swap3A_24] : memref<1x2000x80xf32, #tpu.memory_space<vmem>>, vector<1x2000x80xf32>
    %swap3A_26 = vector.shape_cast %swap3A_25 : vector<1x2000x80xf32> to vector<2000x80xf32>
    %swap3A_27 = vector.shape_cast %select_n3A : vector<2000x80xf32> to vector<1x2000x80xf32>
    tpu.vector_store %arg4[%swap3A, %swap3A_23, %swap3A_24], %swap3A_27 {strides = array<i32>} : memref<1x2000x80xf32, #tpu.memory_space<vmem>>, vector<1x2000x80xf32>,
    return
  }
  func.func @transform_0(%arg0: i32, %arg1: i32) -> (i32, i32, i32) {
    %c0_i32 = arith.constant 0 : i32
    %c0_i32_0 = arith.constant 0 : i32
    return %arg0, %arg1, %c0_i32 : i32, i32, i32
  }
  func.func @transform_1(%arg0: i32, %arg1: i32) -> (i32, i32, i32) {
    %c0_i32 = arith.constant 0 : i32
    %c0_i32_0 = arith.constant 0 : i32
    return %arg0, %arg1, %c0_i32 : i32, i32, i32
  }
  func.func @transform_2(%arg0: i32, %arg1: i32) -> (i32, i32, i32) {
    %c0_i32 = arith.constant 0 : i32
    %c0_i32_0 = arith.constant 0 : i32
    return %arg0, %arg1, %c0_i32 : i32, i32, i32
  }
}

module attributes {stable_mosaic.version = 14 : i64} {
  func.func @_nms_kernel(%arg0: i32, %arg1: memref<8x4x1000xf32, #tpu.memory_space<vmem>>, %arg2: memref<1x4x1000xf32, #tpu.memory_space<vmem>>) attributes {dimension_semantics = [#tpu.dimension_semantics<arbitrary>], iteration_bounds = array<i64: 1>, scalar_prefetch = 0 : i64, scratch_operands = 0 : i64, tpu.core_type = #tpu.core_type<tc>, window_params = [{pipeline_mode = #tpu.pipeline_mode<synchronous>, transform_indices = @transform_0, window_bounds = array<i64: 8, 4, 1000>}, {pipeline_mode = #tpu.pipeline_mode<synchronous>, transform_indices = @transform_1, window_bounds = array<i64: 1, 4, 1000>}]} {
    %get3A = arith.constant 0 : index
    %get3A_0 = arith.constant 0 : index
    %get3A_1 = arith.constant 0 : index
    %get3A_2 = vector.load %arg1[%get3A, %get3A_0, %get3A_1] : memref<8x4x1000xf32, #tpu.memory_space<vmem>>, vector<1x4x1000xf32>
    %get3A_3 = vector.shape_cast %get3A_2 : vector<1x4x1000xf32> to vector<4x1000xf32>
    %get3A_4 = arith.constant 1 : index
    %get3A_5 = arith.constant 0 : index
    %get3A_6 = arith.constant 0 : index
    %get3A_7 = vector.load %arg1[%get3A_4, %get3A_5, %get3A_6] : memref<8x4x1000xf32, #tpu.memory_space<vmem>>, vector<1x4x1000xf32>
    %get3A_8 = vector.shape_cast %get3A_7 : vector<1x4x1000xf32> to vector<4x1000xf32>
    %get3A_9 = arith.constant 2 : index
    %get3A_10 = arith.constant 0 : index
    %get3A_11 = arith.constant 0 : index
    %get3A_12 = vector.load %arg1[%get3A_9, %get3A_10, %get3A_11] : memref<8x4x1000xf32, #tpu.memory_space<vmem>>, vector<1x4x1000xf32>
    %get3A_13 = vector.shape_cast %get3A_12 : vector<1x4x1000xf32> to vector<4x1000xf32>
    %get3A_14 = arith.constant 3 : index
    %get3A_15 = arith.constant 0 : index
    %get3A_16 = arith.constant 0 : index
    %get3A_17 = vector.load %arg1[%get3A_14, %get3A_15, %get3A_16] : memref<8x4x1000xf32, #tpu.memory_space<vmem>>, vector<1x4x1000xf32>
    %get3A_18 = vector.shape_cast %get3A_17 : vector<1x4x1000xf32> to vector<4x1000xf32>
    %get3A_19 = arith.constant 4 : index
    %get3A_20 = arith.constant 0 : index
    %get3A_21 = arith.constant 0 : index
    %get3A_22 = vector.load %arg1[%get3A_19, %get3A_20, %get3A_21] : memref<8x4x1000xf32, #tpu.memory_space<vmem>>, vector<1x4x1000xf32>
    %get3A_23 = vector.shape_cast %get3A_22 : vector<1x4x1000xf32> to vector<4x1000xf32>
    %sub3A = arith.subf %get3A_13, %get3A_3 : vector<4x1000xf32>
    %sub3A_24 = arith.subf %get3A_18, %get3A_8 : vector<4x1000xf32>
    %gt3A = arith.constant 0.000000e+00 : f32
    %gt3A_25 = vector.broadcast %gt3A : f32 to vector<4x1000xf32>
    %gt3A_26 = arith.cmpf ogt, %get3A_23, %gt3A_25 : vector<4x1000xf32>
    %ge3A = arith.constant 0.000000e+00 : f32
    %ge3A_27 = vector.broadcast %ge3A : f32 to vector<4x1000xf32>
    %ge3A_28 = arith.cmpf oge, %sub3A, %ge3A_27 : vector<4x1000xf32>
    %and3A = arith.andi %gt3A_26, %ge3A_28 : vector<4x1000xi1>
    %ge3A_29 = arith.constant 0.000000e+00 : f32
    %ge3A_30 = vector.broadcast %ge3A_29 : f32 to vector<4x1000xf32>
    %ge3A_31 = arith.cmpf oge, %sub3A_24, %ge3A_30 : vector<4x1000xf32>
    %and3A_32 = arith.andi %and3A, %ge3A_31 : vector<4x1000xi1>
    %jit3A = arith.constant 9.99999996E-13 : f32
    %max3A = vector.broadcast %jit3A : f32 to vector<4x1000xf32>
    %max3A_33 = arith.maximumf %max3A, %get3A_23 : vector<4x1000xf32>
    %sqrt3A = math.sqrt %max3A_33 : vector<4x1000xf32>
    %jit3A_34 = arith.constant 0.000000e+00 : f32
    %broadcast_in_dim3A = vector.broadcast %jit3A_34 : f32 to vector<4x1000xf32>
    %select_n3A = arith.select %and3A_32, %sqrt3A, %broadcast_in_dim3A : vector<4x1000xi1>, vector<4x1000xf32>
    %jit3A_35 = arith.constant 0.000000e+00 : f32
    %max3A_36 = vector.broadcast %jit3A_35 : f32 to vector<4x1000xf32>
    %max3A_37 = arith.maximumf %max3A_36, %sub3A : vector<4x1000xf32>
    %jit3A_38 = arith.constant 0.000000e+00 : f32
    %max3A_39 = vector.broadcast %jit3A_38 : f32 to vector<4x1000xf32>
    %max3A_40 = arith.maximumf %max3A_39, %sub3A_24 : vector<4x1000xf32>
    %mul3A = arith.mulf %max3A_37, %max3A_40 : vector<4x1000xf32>
    %iota3A = tpu.iota {dimensions = array<i32: 1>} : vector<1x1000xi32>
    %broadcast_in_dim3A_41 = arith.constant 1.000000e+00 : f32
    %broadcast_in_dim3A_42 = vector.broadcast %broadcast_in_dim3A_41 : f32 to vector<4x1000xf32>
    %scan3A = arith.constant 0 : i32
    %scan3A_43 = arith.constant 1000 : i32
    %scan3A_44 = arith.addi %scan3A, %scan3A_43 : i32
    %scan3A_45 = arith.constant 1 : i32
    %scan3A_46 = scf.for %scan3A_64 = %scan3A to %scan3A_44 step %scan3A_45 iter_args(%scan3A_65 = %broadcast_in_dim3A_42) -> (vector<4x1000xf32>)  : i32 {
      %eq3A = vector.broadcast %scan3A_64 : i32 to vector<1x1000xi32>
      %eq3A_66 = arith.cmpi eq, %iota3A, %eq3A : vector<1x1000xi32>
      %jit3A_67 = arith.constant -1.000000e+30 : f32
      %broadcast_in_dim3A_68 = vector.shape_cast %eq3A_66 : vector<1x1000xi1> to vector<1x1000xi1>
      %broadcast_in_dim3A_69 = vector.broadcast %broadcast_in_dim3A_68 : vector<1x1000xi1> to vector<4x1000xi1>
      %broadcast_in_dim3A_70 = vector.broadcast %jit3A_67 : f32 to vector<4x1000xf32>
      %select_n3A_71 = arith.select %broadcast_in_dim3A_69, %get3A_3, %broadcast_in_dim3A_70 : vector<4x1000xi1>, vector<4x1000xf32>
      %reduce_max3A = arith.constant dense<0xFF800000> : vector<4xf32>
      %reduce_max3A_72 = vector.multi_reduction <maximumf>, %select_n3A_71, %reduce_max3A [1] : vector<4x1000xf32> to vector<4xf32>
      %broadcast_in_dim3A_73 = vector.shape_cast %reduce_max3A_72 : vector<4xf32> to vector<4x1xf32>
      %jit3A_74 = arith.constant -1.000000e+30 : f32
      %broadcast_in_dim3A_75 = vector.shape_cast %eq3A_66 : vector<1x1000xi1> to vector<1x1000xi1>
      %broadcast_in_dim3A_76 = vector.broadcast %broadcast_in_dim3A_75 : vector<1x1000xi1> to vector<4x1000xi1>
      %broadcast_in_dim3A_77 = vector.broadcast %jit3A_74 : f32 to vector<4x1000xf32>
      %select_n3A_78 = arith.select %broadcast_in_dim3A_76, %get3A_8, %broadcast_in_dim3A_77 : vector<4x1000xi1>, vector<4x1000xf32>
      %reduce_max3A_79 = arith.constant dense<0xFF800000> : vector<4xf32>
      %reduce_max3A_80 = vector.multi_reduction <maximumf>, %select_n3A_78, %reduce_max3A_79 [1] : vector<4x1000xf32> to vector<4xf32>
      %broadcast_in_dim3A_81 = vector.shape_cast %reduce_max3A_80 : vector<4xf32> to vector<4x1xf32>
      %jit3A_82 = arith.constant -1.000000e+30 : f32
      %broadcast_in_dim3A_83 = vector.shape_cast %eq3A_66 : vector<1x1000xi1> to vector<1x1000xi1>
      %broadcast_in_dim3A_84 = vector.broadcast %broadcast_in_dim3A_83 : vector<1x1000xi1> to vector<4x1000xi1>
      %broadcast_in_dim3A_85 = vector.broadcast %jit3A_82 : f32 to vector<4x1000xf32>
      %select_n3A_86 = arith.select %broadcast_in_dim3A_84, %get3A_13, %broadcast_in_dim3A_85 : vector<4x1000xi1>, vector<4x1000xf32>
      %reduce_max3A_87 = arith.constant dense<0xFF800000> : vector<4xf32>
      %reduce_max3A_88 = vector.multi_reduction <maximumf>, %select_n3A_86, %reduce_max3A_87 [1] : vector<4x1000xf32> to vector<4xf32>
      %broadcast_in_dim3A_89 = vector.shape_cast %reduce_max3A_88 : vector<4xf32> to vector<4x1xf32>
      %jit3A_90 = arith.constant -1.000000e+30 : f32
      %broadcast_in_dim3A_91 = vector.shape_cast %eq3A_66 : vector<1x1000xi1> to vector<1x1000xi1>
      %broadcast_in_dim3A_92 = vector.broadcast %broadcast_in_dim3A_91 : vector<1x1000xi1> to vector<4x1000xi1>
      %broadcast_in_dim3A_93 = vector.broadcast %jit3A_90 : f32 to vector<4x1000xf32>
      %select_n3A_94 = arith.select %broadcast_in_dim3A_92, %get3A_18, %broadcast_in_dim3A_93 : vector<4x1000xi1>, vector<4x1000xf32>
      %reduce_max3A_95 = arith.constant dense<0xFF800000> : vector<4xf32>
      %reduce_max3A_96 = vector.multi_reduction <maximumf>, %select_n3A_94, %reduce_max3A_95 [1] : vector<4x1000xf32> to vector<4xf32>
      %broadcast_in_dim3A_97 = vector.shape_cast %reduce_max3A_96 : vector<4xf32> to vector<4x1xf32>
      %jit3A_98 = arith.constant -1.000000e+30 : f32
      %broadcast_in_dim3A_99 = vector.shape_cast %eq3A_66 : vector<1x1000xi1> to vector<1x1000xi1>
      %broadcast_in_dim3A_100 = vector.broadcast %broadcast_in_dim3A_99 : vector<1x1000xi1> to vector<4x1000xi1>
      %broadcast_in_dim3A_101 = vector.broadcast %jit3A_98 : f32 to vector<4x1000xf32>
      %select_n3A_102 = arith.select %broadcast_in_dim3A_100, %mul3A, %broadcast_in_dim3A_101 : vector<4x1000xi1>, vector<4x1000xf32>
      %reduce_max3A_103 = arith.constant dense<0xFF800000> : vector<4xf32>
      %reduce_max3A_104 = vector.multi_reduction <maximumf>, %select_n3A_102, %reduce_max3A_103 [1] : vector<4x1000xf32> to vector<4xf32>
      %broadcast_in_dim3A_105 = vector.shape_cast %reduce_max3A_104 : vector<4xf32> to vector<4x1xf32>
      %jit3A_106 = arith.constant 0.000000e+00 : f32
      %broadcast_in_dim3A_107 = vector.shape_cast %eq3A_66 : vector<1x1000xi1> to vector<1x1000xi1>
      %broadcast_in_dim3A_108 = vector.broadcast %broadcast_in_dim3A_107 : vector<1x1000xi1> to vector<4x1000xi1>
      %broadcast_in_dim3A_109 = vector.broadcast %jit3A_106 : f32 to vector<4x1000xf32>
      %select_n3A_110 = arith.select %broadcast_in_dim3A_108, %scan3A_65, %broadcast_in_dim3A_109 : vector<4x1000xi1>, vector<4x1000xf32>
      %reduce_max3A_111 = arith.constant dense<0xFF800000> : vector<4xf32>
      %reduce_max3A_112 = vector.multi_reduction <maximumf>, %select_n3A_110, %reduce_max3A_111 [1] : vector<4x1000xf32> to vector<4xf32>
      %broadcast_in_dim3A_113 = vector.shape_cast %reduce_max3A_112 : vector<4xf32> to vector<4x1xf32>
      %min3A = vector.broadcast %broadcast_in_dim3A_89 : vector<4x1xf32> to vector<4x1000xf32>
      %min3A_114 = arith.minimumf %min3A, %get3A_13 : vector<4x1000xf32>
      %max3A_115 = vector.broadcast %broadcast_in_dim3A_73 : vector<4x1xf32> to vector<4x1000xf32>
      %max3A_116 = arith.maximumf %max3A_115, %get3A_3 : vector<4x1000xf32>
      %sub3A_117 = arith.subf %min3A_114, %max3A_116 : vector<4x1000xf32>
      %jit3A_118 = arith.constant 0.000000e+00 : f32
      %max3A_119 = vector.broadcast %jit3A_118 : f32 to vector<4x1000xf32>
      %max3A_120 = arith.maximumf %max3A_119, %sub3A_117 : vector<4x1000xf32>
      %min3A_121 = vector.broadcast %broadcast_in_dim3A_97 : vector<4x1xf32> to vector<4x1000xf32>
      %min3A_122 = arith.minimumf %min3A_121, %get3A_18 : vector<4x1000xf32>
      %max3A_123 = vector.broadcast %broadcast_in_dim3A_81 : vector<4x1xf32> to vector<4x1000xf32>
      %max3A_124 = arith.maximumf %max3A_123, %get3A_8 : vector<4x1000xf32>
      %sub3A_125 = arith.subf %min3A_122, %max3A_124 : vector<4x1000xf32>
      %jit3A_126 = arith.constant 0.000000e+00 : f32
      %max3A_127 = vector.broadcast %jit3A_126 : f32 to vector<4x1000xf32>
      %max3A_128 = arith.maximumf %max3A_127, %sub3A_125 : vector<4x1000xf32>
      %mul3A_129 = arith.mulf %max3A_120, %max3A_128 : vector<4x1000xf32>
      %add3A = vector.broadcast %broadcast_in_dim3A_105 : vector<4x1xf32> to vector<4x1000xf32>
      %add3A_130 = arith.addf %add3A, %mul3A : vector<4x1000xf32>
      %sub3A_131 = arith.subf %add3A_130, %mul3A_129 : vector<4x1000xf32>
      %max3A_132 = arith.constant 9.99999971E-10 : f32
      %max3A_133 = vector.broadcast %max3A_132 : f32 to vector<4x1000xf32>
      %max3A_134 = arith.maximumf %sub3A_131, %max3A_133 : vector<4x1000xf32>
      %div3A = arith.divf %mul3A_129, %max3A_134 : vector<4x1000xf32>
      %gt3A_135 = arith.constant 0.000000e+00 : f32
      %gt3A_136 = vector.broadcast %gt3A_135 : f32 to vector<4x1xf32>
      %gt3A_137 = arith.cmpf ogt, %broadcast_in_dim3A_113, %gt3A_136 : vector<4x1xf32>
      %gt3A_138 = arith.constant 6.000000e-01 : f32
      %gt3A_139 = vector.broadcast %gt3A_138 : f32 to vector<4x1000xf32>
      %gt3A_140 = arith.cmpf ogt, %div3A, %gt3A_139 : vector<4x1000xf32>
      %and3A_141 = vector.broadcast %gt3A_137 : vector<4x1xi1> to vector<4x1000xi1>
      %and3A_142 = arith.andi %and3A_141, %gt3A_140 : vector<4x1000xi1>
      %gt3A_143 = vector.broadcast %scan3A_64 : i32 to vector<1x1000xi32>
      %gt3A_144 = arith.cmpi sgt, %iota3A, %gt3A_143 : vector<1x1000xi32>
      %and3A_145 = vector.broadcast %gt3A_144 : vector<1x1000xi1> to vector<4x1000xi1>
      %and3A_146 = arith.andi %and3A_142, %and3A_145 : vector<4x1000xi1>
      %jit3A_147 = arith.constant 0.000000e+00 : f32
      %broadcast_in_dim3A_148 = vector.broadcast %jit3A_147 : f32 to vector<4x1000xf32>
      %select_n3A_149 = arith.select %and3A_146, %broadcast_in_dim3A_148, %scan3A_65 : vector<4x1000xi1>, vector<4x1000xf32>
      scf.yield %select_n3A_149 : vector<4x1000xf32>
    }
    %scan3A_47 = arith.constant 1000 : i32
    %gt3A_48 = arith.constant 0.000000e+00 : f32
    %gt3A_49 = vector.broadcast %gt3A_48 : f32 to vector<4x1000xf32>
    %gt3A_50 = arith.cmpf ogt, %scan3A_46, %gt3A_49 : vector<4x1000xf32>
    %and3A_51 = arith.andi %gt3A_50, %and3A_32 : vector<4x1000xi1>
    %ge3A_52 = arith.constant 5.000000e-02 : f32
    %ge3A_53 = vector.broadcast %ge3A_52 : f32 to vector<4x1000xf32>
    %ge3A_54 = arith.cmpf oge, %select_n3A, %ge3A_53 : vector<4x1000xf32>
    %and3A_55 = arith.andi %and3A_51, %ge3A_54 : vector<4x1000xi1>
    %jit3A_56 = arith.constant 0.000000e+00 : f32
    %broadcast_in_dim3A_57 = vector.broadcast %jit3A_56 : f32 to vector<4x1000xf32>
    %select_n3A_58 = arith.select %and3A_55, %select_n3A, %broadcast_in_dim3A_57 : vector<4x1000xi1>, vector<4x1000xf32>
    %swap3A = arith.constant 0 : index
    %swap3A_59 = arith.constant 0 : index
    %swap3A_60 = arith.constant 0 : index
    %swap3A_61 = vector.load %arg2[%swap3A, %swap3A_59, %swap3A_60] : memref<1x4x1000xf32, #tpu.memory_space<vmem>>, vector<1x4x1000xf32>
    %swap3A_62 = vector.shape_cast %swap3A_61 : vector<1x4x1000xf32> to vector<4x1000xf32>
    %swap3A_63 = vector.shape_cast %select_n3A_58 : vector<4x1000xf32> to vector<1x4x1000xf32>
    tpu.vector_store %arg2[%swap3A, %swap3A_59, %swap3A_60], %swap3A_63 {strides = array<i32>} : memref<1x4x1000xf32, #tpu.memory_space<vmem>>, vector<1x4x1000xf32>,
    return
  }
  func.func @transform_0(%arg0: i32) -> (i32, i32, i32) {
    %c0_i32 = arith.constant 0 : i32
    %c0_i32_0 = arith.constant 0 : i32
    %c0_i32_1 = arith.constant 0 : i32
    %c0_i32_2 = arith.constant 0 : i32
    return %c0_i32, %c0_i32_0, %c0_i32_1 : i32, i32, i32
  }
  func.func @transform_1(%arg0: i32) -> (i32, i32, i32) {
    %c0_i32 = arith.constant 0 : i32
    %c0_i32_0 = arith.constant 0 : i32
    %c0_i32_1 = arith.constant 0 : i32
    %c0_i32_2 = arith.constant 0 : i32
    return %c0_i32, %c0_i32_0, %c0_i32_1 : i32, i32, i32
  }
}

</mosaic_0001>

<sc_bundles>
// kernel: gather_offload_async_start.1
scs
__scs_entry_jumppad:
0x0: {  	(pc) =	sbr.rel $0x88, $3  }
0x1: {  	(tag) =	ssettag $0x0;
	lr =	simm.s32 $0x1  }
0x2: {  	[smem:$0x3F9C] =	sst lr;
	_ =	strace $0xD0000000  }
0x3: {  	_ = 	snop  }
0x4: {  	_ = 	snop  }
0x5: {  	_ = 	snop  }
0x6: {  	_ = 	snop  }
0x7: {  	_ = 	snop  }
__scs_overlays_trampoline_lowered:
0x8: {  	[smem:$0x3FAB] =	sst s0  }
0x9: {  	[smem:$0x3FAC] =	sst s1  }
0xa: {  	[smem:$0x3FAD] =	sst s2  }
0xb: {  	[smem:$0x3FAE] =	sst s3  }
0xc: {  	[smem:$0x3FAF] =	sst s4  }
0xd: {  	[smem:$0x3FB0] =	sst s5  }
0xe: {  	[smem:$0x3FB1] =	sst s6  }
0xf: {  	[smem:$0x3FB2] =	sst s7  }
0x10: {  	[smem:$0x3FB3] =	sst s8  }
0x11: {  	[smem:$0x3FB4] =	sst s9;
	s0 =	simm.s32 @!p0 $0x0  }
0x12: {  	s1 =	sld [smem:$0x3F9A];
	s0 =	simm.s32 @p0 $0x1  }
0x13: {  	[smem:$0x3FB5] =	sst s0;
	s0 =	simm.s32 @!p1 $0x0  }
0x14: {  	s2 =	sld [smem:$0x3F99];
	s0 =	simm.s32 @p1 $0x1  }
0x15: {  	[smem:$0x3FB6] =	sst s0;
	s0 =	simm.s32 @!p2 $0x0  }
0x16: {  	s3 =	sld [smem:$0x3FDB];
	s0 =	simm.s32 @p2 $0x1  }
0x17: {  	s4 =	simm.s32 $0x1BF5;
	[smem:$0x3FB8] =	sst s0  }
0x18: {  	s0 =	sld [smem:$0x3F9B];
	_ =	swait.ge [sflag:s4], $0x0  }
0x19: {  	s7 =	sld [smem:$0x3F9C]  }
0x1a: {  	s8 =	sadd.s32 $0xFFFFE003, lr  }
0x1b: {  	s9 =	sadd.s32 $0xFFFFFEF7, lr;
	s5 =	simm.s32 $0xFFFFFFFF;
	p2 =	slt.u32 s8, $0xFFFFF086  }
0x1c: {  	p1 =	slt.u32 s9, $0xF7A;
	s5 =	simm.s32 @!p2 $0x0  }
0x1d: {  	s5 =	simm.s32 @p1 $0x1;
	p0 =	seq.s32 s7, s2  }
0x1e: {  	s7 =	smul.u32 @!p0 $0xF7A, s2;
	p2 =	seq.s32 @!p0 s5, $0x0  }
0x1f: {  	s9 =	smul.u32 $0xF7A, s1;
	s8 =	simm.s32 @!p0 $0x1BF5;
	p2 =	por !p2, p0  }
0x20: {  	[sflag:s8] =	ssyncset.s32 @!p0 $0xFFFFF086;
	s6 =	sadd.s32 @!p0 s3, s7;
	s7 =	simm.s32 @!p0 $0x108  }
0x21: {  	s3 =	sadd.s32 s3, s9;
	s6 =	sadd.s32 @!p0 $0x88, s6;
	s7 =	simm.s32 @p2 $0x1082  }
0x22: {  	[simem:s7], [sflag:s8] =	dma.local @!p0 [hbm:s6], $0xF7A  }
0x23: {  	s9 =	sor.u32 $0xD0000000, s2;
	s6 =	simm.s32 $0x108;
	_ =	swait.ge @!p0 [sflag:s8], $0x0  }
0x24: {  	s3 =	sadd.s32 $0x88, s3;
	s6 =	simm.s32 @!p1 $0x1082;
	[sflag:s4] =	ssyncset.s32 $0xFFFFF086  }
0x25: {  	[simem:s6], [sflag:s4] =	dma.local [hbm:s3], $0xF7A  }
0x26: {  	[smem:$0x3F9C] =	sst s1;
	(tag) =	ssettag s2;
	_ =	strace s9  }
0x27: {  	s1 =	sld [smem:$0x3FAC]  }
0x28: {  	s2 =	sld [smem:$0x3FAD]  }
0x29: {  	s4 =	sld [smem:$0x3FAF]  }
0x2a: {  	p0 =	seq.s32 s5, $0x0;
	s5 =	sld [smem:$0x3FB0]  }
0x2b: {  	s6 =	sld [smem:$0x3FB1]  }
0x2c: {  	s7 =	sld [smem:$0x3FB2]  }
0x2d: {  	s3 =	simm.s32 $0x108;
	s8 =	sld [smem:$0x3FB3]  }
0x2e: {  	s3 =	simm.s32 @!p0 $0x1082;
	s9 =	sld [smem:$0x3FB4]  }
0x2f: {  	lr =	sadd.s32 s0, s3;
	s0 =	sld [smem:$0x3FAB]  }
0x30: {  	s3 =	sld [smem:$0x3FAE]  }
0x31: {  	[smem:$0x3FB7] =	sst s10  }
0x32: {  	s10 =	sld [smem:$0x3FB5];
	_ =	sdelay $0x3  }
0x33: {  	p0 =	seq.s32 s10, $0x1;
	s10 =	sld [smem:$0x3FB7];
	_ =	sdelay $0x3  }
0x34: {  	[smem:$0x3FB7] =	sst s10  }
0x35: {  	s10 =	sld [smem:$0x3FB6];
	_ =	sdelay $0x3  }
0x36: {  	p1 =	seq.s32 s10, $0x1;
	s10 =	sld [smem:$0x3FB7];
	_ =	sdelay $0x3  }
0x37: {  	[smem:$0x3FB7] =	sst s10  }
0x38: {  	s10 =	sld [smem:$0x3FB8]  }
0x39: {  	_ = 	snop;
	(pc) =	sbr.ind lr, $3  }
0x3a: {  	_ = 	snop  }
0x3b: {  	_ = 	snop  }
0x3c: {  	p2 =	seq.s32 s10, $0x1;
	s10 =	sld [smem:$0x3FB7]  }
0x3d: {  	_ =	shalt  }
0x3e: {  	_ =	shalt  }
0x3f: {  	_ =	shalt  }
0x40: {  	_ =	shalt  }
0x41: {  	_ =	shalt  }
0x42: {  	_ =	shalt  }
0x43: {  	_ =	shalt  }
0x44: {  	_ =	shalt  }
0x45: {  	_ =	shalt  }
0x46: {  	_ =	shalt  }
0x47: {  	_ =	shalt  }
0x48: {  	_ =	shalt  }
0x49: {  	_ =	shalt  }
0x4a: {  	_ =	shalt  }
0x4b: {  	_ =	shalt  }
0x4c: {  	_ =	shalt  }
0x4d: {  	_ =	shalt  }
0x4e: {  	_ =	shalt  }
0x4f: {  	_ =	shalt  }
0x50: {  	_ =	shalt  }
0x51: {  	_ =	shalt  }
0x52: {  	_ =	shalt  }
0x53: {  	_ =	shalt  }
0x54: {  	_ =	shalt  }
0x55: {  	_ =	shalt  }
0x56: {  	_ =	shalt  }
0x57: {  	_ =	shalt  }
0x58: {  	_ =	shalt  }
0x59: {  	_ =	shalt  }
0x5a: {  	_ =	shalt  }
0x5b: {  	_ =	shalt  }
0x5c: {  	_ =	shalt  }
0x5d: {  	_ =	shalt  }
0x5e: {  	_ =	shalt  }
0x5f: {  	_ =	shalt  }
0x60: {  	_ =	shalt  }
0x61: {  	_ =	shalt  }
0x62: {  	_ =	shalt  }
0x63: {  	_ =	shalt  }
0x64: {  	_ =	shalt  }
0x65: {  	_ =	shalt  }
0x66: {  	_ =	shalt  }
0x67: {  	_ =	shalt  }
0x68: {  	_ =	shalt  }
0x69: {  	_ =	shalt  }
0x6a: {  	_ =	shalt  }
0x6b: {  	_ =	shalt  }
0x6c: {  	_ =	shalt  }
0x6d: {  	_ =	shalt  }
0x6e: {  	_ =	shalt  }
0x6f: {  	_ =	shalt  }
0x70: {  	_ =	shalt  }
0x71: {  	_ =	shalt  }
0x72: {  	_ =	shalt  }
0x73: {  	_ =	shalt  }
0x74: {  	_ =	shalt  }
0x75: {  	_ =	shalt  }
0x76: {  	_ =	shalt  }
0x77: {  	_ =	shalt  }
0x78: {  	_ =	shalt  }
0x79: {  	_ =	shalt  }
0x7a: {  	_ =	shalt  }
0x7b: {  	_ =	shalt  }
0x7c: {  	_ =	shalt  }
0x7d: {  	_ =	shalt  }
0x7e: {  	_ =	shalt  }
0x7f: {  	_ =	shalt  }
0x80: {  	_ =	shalt  }
0x81: {  	_ =	shalt  }
0x82: {  	_ =	shalt  }
0x83: {  	_ =	shalt  }
0x84: {  	_ =	shalt  }
0x85: {  	_ =	shalt  }
0x86: {  	_ =	shalt  }
0x87: {  	_ =	shalt  }
.Lfunc_end0:
.L_simem_size_0:
called_computation.1_lowered:
.L_overlay_start_0:
0x88: {  	s2 =	sld [smem:$0x3FD9]  }
0x89: {  	s3 =	sld [smem:$0x3FFE];
	_ =	sdelay $0x1  }
0x8a: {  	s1 =	srdreg.scid  }
0x8b: {  	s0 =	sand.u32 $0x1, s1  }
0x8c: {  	s16 =	sshll.u32 s0, $0xA;
	s2 =	sadd.s32 s3, s2  }
0x8d: {  	s2 =	sadd.s32 s2, s16  }
0x8e: {  	[smem:$0x3FC3] =	sst s2  }
0x8f: {  	_ = 	snop  }
0x90: {  	(tm) =	ssettm $0x1  }
0x91: {  	s17 =	sld [smem:$0x3FFB];
	_ =	sdelay $0x3  }
0x92: {  	_ =	strace s17  }
0x93: {  	s2 =	sld [smem:$0x3FFC];
	_ =	sdelay $0x3  }
0x94: {  	_ =	strace s2  }
0x95: {  	s2 =	sld [smem:$0x3FFD];
	_ =	sdelay $0x3  }
0x96: {  	_ =	strace s2  }
0x97: {  	_ =	strace $0x8FFFFFFF  }
0x98: {  	s18 =	sld [smem:$0x3FDB];
	_ =	sdelay $0x1  }
0x99: {  	s19 =	simm.s32 $_scs_section_size  }
0x9a: {  	s4 =	simm.s32 $_size__tile_overlayer_lowered;
	s5 =	simm.s32 $_tile_overlayer_lowered  }
0x9b: {  	s22 =	simm.s32 $0x1BFF;
	s21 =	sshll.u32 s5, $0x1;
	s2 =	sadd.s32 s19, s18  }
0x9c: {  	s6 =	simm.s32 $0x0;
	s20 =	sshll.u32 s4, $0x1;
	s4 =	sadd.s32 s21, s2  }
0x9d: {  	[timem:s6], [sflag:s22] =	dma.local [hbm:s4], s20  }
0x9e: {  	_ =	swait.ge [sflag:s22], s20  }
0x9f: {  	s3 =	ssub.s32 $0x0, s20;
	[sflag:s22] =	ssyncset.done $0x0  }
0xa0: {  	[sflag:s22] =	ssyncadd.s32 s3;
	_ =	sdelay $0x1  }
0xa1: {  	s23 =	simm.s32 $0x1B8B  }
0xa2: {  	_ =	swait.ge [sflag:s23], $0x1  }
0xa3: {  	[sflag:s23] =	ssyncset.done $0x0  }
0xa4: {  	s25 =	simm.s32 $0x1B8E;
	s24 =	sld [smem:$0x3FFE];
	[sflag:s23] =	ssyncadd.s32 $0xFFFFFFFF  }
0xa5: {  	s26 =	simm.s32 $execute0_lowered;
	[smem:$0x3FD2] =	sst s25  }
0xa6: {  	s4 =	sshll.u32 s26, $0x1;
	_ =	strace $0x80000046;
	[dreg:$0x1] =	wrdreg $0xFFFFFFFF  }
0xa7: {  	s28 =	simm.s32 $_size_execute0_lowered;
	s2 =	sadd.s32 s2, s4;
	[dreg:$0x0] =	wrdreg $0x0  }
0xa8: {  	s4 =	sshll.u32 s28, $0x1;
	[dreg:$0x2] =	wrdreg s2  }
0xa9: {  	[dreg:$0x3] =	wrdreg s4  }
0xaa: {  	[dreg:$0x4] =	wrdreg $0xC0  }
0xab: {  	_ =	task [dreg:s6], $0x5FFFF  }
0xac: {  	[dreg:$0x1] =	wrdreg $0xFFFFFFFF  }
0xad: {  	[dreg:$0x0] =	wrdreg $0x60  }
0xae: {  	[dreg:$0x2] =	wrdreg s24  }
0xaf: {  	[dreg:$0x3] =	wrdreg $0x9  }
0xb0: {  	_ =	task.clear_ibuf [dreg:s6], $0x4FFFF;
	_ =	strace $0x90000046  }
0xb1: {  	s29 =	simm.s32 $0x9;
	_ =	strace $0x80000048  }
0xb2: {  	_ =	swait.ge [sflag:s29], $0x1  }
0xb3: {  	[sflag:s29] =	ssyncadd.s32 $0xFFFFFFFF  }
0xb4: {  	_ =	strace $0x90000048  }
0xb5: {  	_ =	sfence  }
0xb6: {  	s30 =	sld [smem:$0x0];
	_ =	sdelay $0x2  }
0xb7: {  	s31 =	sshll.u32 s1, $0xD;
	s1 =	sshrl.u32 s1, $0x2  }
0xb8: {  	s3 =	sand.u32 $0x4000, s31;
	s1 =	sadd.s32 s1, s30  }
0xb9: {  	s0 =	sor.u32 s3, s0;
	s1 =	sshll.u32 s1, $0x11  }
0xba: {  	s0 =	sor.u32 s1, s0  }
0xbb: {  	s0 =	sadd.s32 $0x8F2B, s0  }
0xbc: {  	[sflag:s0] =	ssyncadd.remote.s32 $0x1  }
0xbd: {  	_ =	sfence.sel $0xFFFF  }
0xbe: {  	[dreg:$0x0] =	wrdreg $0xFFFFFFFF;
	(pc) =	sbr.abs _section_cstart, $3  }
0xbf: {  	[dreg:$0x1] =	wrdreg $0xFFFFFFFF  }
0xc0: {  	_ =	task.clear_ibuf [dreg:s6], $0x2FFFF;
	_ =	strace $0x9FFFFFFF  }
0xc1: {  	(tm) =	ssettm $0x7FFFFFFF  }
tec
execute0_lowered:
.L_overlay_start_1:
0x0: {  	(tag) =	ssettag $0x1  }
0x1: {  	s0 =	srdreg.scid  }
0x2: {  	s1 =	sshll.u32 s0, $0x4  }
0x3: {  	s0 =	stileid.u32;
	s1 =	sand.u32 $0x10, s1  }
0x4: {  	s1 =	sor.u32 s0, s1  }
0x5: {  	s2 =	smin.u32 s1, $0x12  }
0x6: {  	s2 =	sadd.s32 s1, s2  }
0x7: {  	p0 =	slt.u32 s1, $0x12;
	s1 =	simm.s32 $0xA0;
	s2 =	smul.u32 $0x50, s2  }
0x8: {  	s1 =	simm.s32 @!p0 $0x50  }
0x9: {  	s1 =	sadd.s32 s1, s2  }
0xa: {  	s3 =	smin.u32 s1, $0xFA0  }
0xb: {  	s7 =	ssub.s32 s3, s2  }
0xc: {  	p0 =	sgt.s32 s7, $0x0  }
0xd: {  	s7 =	simm.s32 @!p0 $0x0  }
0xe: {  	s31 =	smul.u32 $0xCCCD, s7  }
0xf: {  	s9 =	rddreg [dreg:$0x0];
	s6 =	simm.s32 $0x1;
	s11 =	simm.s32 $0x3  }
0x10: {  	s13 =	simm.s32 $0x0;
	s12 =	simm.s32 $0x0;
	s8 =	sshrl.u32 s31, $0x16  }
0x11: {  	s4 =	sadd.s32 $0x271000, s9;
	s5 =	sadd.s32 $0x200, s9;
	s10 =	smul.u32 $0x50, s8  }
.Ltmp0:
0x12: {  	s9 =	sadd.s32 $0x186E00, s9;
	s1 =	rddreg [dreg:$0x1];
	(pc) =	sbr.rel .LBB2_1-.Ltmp0, $4  }
0x13: {  	_ =	strace $0x80000047;
	p0 =	sne.s32 s7, s10;
	s10 =	simm.s32 $0x1  }
0x14: {  	[sflag:s6] =	ssyncpa.u1 $0x0;
	s7 =	simm.s32 $0x2;
	s10 =	simm.s32 @!p0 $0x0  }
0x15: {  	[sflag:s7] =	ssyncpa.u1 $0x0;
	p0 =	por $0x0, $0x0;
	s8 =	sadd.s32 s8, s10  }
0x16: {  	vm0 =	vmmov $0xff;
	vm1 =	vcmask $0x3F20;
	[sflag:s11] =	ssyncpa.u1 $0x0;
	s11 =	smov.u32 s2;
	s10 =	sadd.s32 $0x1, s8  }
.LBB2_6:
0x17: {  	[hbm:s17] =	stream.linear.scatter [tilespmem:s14], [sflag:$0x3], $0x400, $0x38;
	[tilespmem:$0x50A0] =	vst v63  }
.LBB2_7:
0x18: {  	s13 =	sadd.s32 $0x50, s11  }
0x19: {  	s15 =	smov.u32 s2;
	p2 =	slt.s32 s13, s3  }
0x1a: {  	s15 =	smov.u32 @p2 s13;
	p2 =	sne.s32 s12, s10  }
.Ltmp1:
0x1b: {  	p1 =	slt.u32 s12, $0x2;
	(pc) =	sbr.rel @!p2 .LBB2_8-.Ltmp1, $4  }
0x1c: {  	s14 =	simm.s32 @!p1 $0x3  }
0x1d: {  	s16 =	sadd.s32 $0x1, s12;
	_ =	swait.ge @!p1 [sflag:s14], $0x2800  }
0x1e: {  	p0 =	por !p0, !p0;
	s13 =	smov.u32 s11;
	[sflag:s14] =	ssyncset.done @!p1 $0x0  }
0x1f: {  	s12 =	smov.u32 s16;
	s11 =	smov.u32 s15;
	[sflag:s14] =	ssyncadd.s32 @!p1 $0xFFFFD800  }
.LBB2_1:
0x20: {  	p1 =	sge.u32 s12, s8  }
0x21: {  	s14 =	sxor.u32 @!p1 $0xFFFFFFFF, s12  }
0x22: {  	s14 =	sand.u32 @!p1 $0x1, s14  }
0x23: {  	s14 =	smul.u32 @!p1 $0x140, s14  }
0x24: {  	s31 =	sadd.s32 $0xFFFFFFFF, s12;
	s15 =	sshrl.u32 @!p1 s11, $0x3  }
0x25: {  	s16 =	sand.u32 @!p1 $0x7, s11;
	s15 =	sadd.s32 @!p1 s5, s15;
	s14 =	sshrl.u32 @!p1 s14, $0x2  }
0x26: {  	[tilespmem:s14], [sflag:$0x2] =	stream.linear.gather @!p1 [hbm4b:s15+s16], $0x50, $0x38;
	[tilespmem:$0x50A0] =	vst v63  }
0x27: {  	p1 =	sge.u32 s31, s8  }
.Ltmp2:
0x28: {  	_ = 	snop;
	(pc) =	sbr.rel @p1 .LBB2_7-.Ltmp2, $1  }
0x29: {  	_ =	sdelay $0x3  }
0x2a: {  	s14 =	simm.s32 $0x1  }
0x2b: {  	s14 =	simm.s32 @!p0 $0x0  }
0x2c: {  	s15 =	smul.u32 $0x140, s14  }
0x2d: {  	_ =	swait.ge [sflag:s7], $0x50  }
0x2e: {  	[sflag:s7] =	ssyncset.done $0x0;
	s16 =	sshrl.u32 s15, $0x2  }
0x2f: {  	[sflag:s7] =	ssyncadd.s32 $0xFFFFFFB0;
	s15 =	sadd.s32 $0x0, s16  }
0x30: {  	v0 =	vld.msk [tilespmem:s15+$0x0 ss:$0x1], $0xffff;
	_ =	sdelay $0x4  }
0x31: {  	v1 =	vand.u32 $0x3, v0;
	v2 =	vshll.u32 v0, $0x5  }
0x32: {  	vm2 =	veq.s32 v0, $0x80000000;
	v0 =	vmul.u32 $0x271000, v1;
	v1 =	vand.u32 $0x3FFF80, v2  }
0x33: {  	v1 =	vsel vm2, $0xFFFFFF80, v1  }
0x34: {  	v0 =	vsel vm2, $0xFFD8F000, v0;
	v2 =	vand.u32 $0xFFFFFC00, v1  }
0x35: {  	v1 =	vand.u32 $0x380, v1;
	v0 =	vadd.s32 v0, v2  }
0x36: {  	v0 =	vor.u32 v1, v0  }
0x37: {  	v0 =	vshrl.u32 v0, $0x3  }
0x38: {  	s14 =	smul.u32 $0xA000, s14;
	_ =	sdelay $0x1  }
0x39: {  	s14 =	sshrl.u32 s14, $0x2  }
0x3a: {  	s14 =	sor.u32 $0xA0, s14  }
0x3b: {  	[tilespmem:s14], [sflag:$0x1] =	stream.indirect_vreg.gather [hbm:s4], $0x80, v0, vm0, $0x38;
	[tilespmem:$0x50A0] =	vst v63  }
0x3c: {  	s17 =	sadd.s32 $0x10, s16;
	s15 =	sadd.s32 $0x400, s14  }
0x3d: {  	[tilespmem:s15], [sflag:$0x1] =	stream.indirect_vreg.gather [hbm:s4], $0x80, v0, vm1, $0x38;
	[tilespmem:$0x50A0] =	vst v63  }
0x3e: {  	s18 =	simm.s32 $0x80;
	v0 =	vld.msk [tilespmem:s17+$0x0 ss:$0x1], $0xffff;
	s17 =	smov.u32 s14  }
.LBB2_3:
0x3f: {  	p1 =	sne.s32 s18, $0x100;
	_ =	sdelay $0x4  }
0x40: {  	v1 =	vand.u32 $0x3, v0;
	v2 =	vshll.u32 v0, $0x5  }
0x41: {  	vm2 =	veq.s32 v0, $0x80000000;
	v0 =	vmul.u32 $0x271000, v1;
	v1 =	vand.u32 $0x3FFF80, v2  }
0x42: {  	v1 =	vsel vm2, $0xFFFFFF80, v1  }
0x43: {  	v0 =	vsel vm2, $0xFFD8F000, v0;
	v2 =	vand.u32 $0xFFFFFC00, v1  }
0x44: {  	v1 =	vand.u32 $0x380, v1;
	v0 =	vadd.s32 v0, v2  }
0x45: {  	v0 =	vor.u32 v1, v0  }
0x46: {  	v0 =	vshrl.u32 v0, $0x3;
	_ =	sdelay $0x3  }
.Ltmp3:
0x47: {  	s19 =	sshra.s32 s18, $0x2;
	s17 =	sadd.s32 $0x800, s17;
	(pc) =	sbr.rel @p1 .LBB2_3-.Ltmp3, $4  }
0x48: {  	[tilespmem:s17], [sflag:$0x1] =	stream.indirect_vreg.gather [hbm:s4], $0x80, v0, vm0, $0x38;
	[tilespmem:$0x50A0] =	vst v63  }
0x49: {  	s19 =	sadd.s32 s19, s16;
	s20 =	sadd.s32 $0x400, s17  }
0x4a: {  	[tilespmem:s20], [sflag:$0x1] =	stream.indirect_vreg.gather [hbm:s4], $0x80, v0, vm1, $0x38;
	[tilespmem:$0x50A0] =	vst v63  }
0x4b: {  	s18 =	sadd.s32 $0x40, s18;
	v0 =	vld.msk [tilespmem:s19+$0x0 ss:$0x1], $0xffff  }
0x4c: {  	_ =	sdelay $0x3  }
0x4d: {  	v1 =	vand.u32 $0x3, v0;
	v2 =	vshll.u32 v0, $0x5  }
0x4e: {  	vm2 =	veq.s32 v0, $0x80000000;
	v61 =	vmul.u32 $0x271000, v1;
	v62 =	vand.u32 $0x3FFF80, v2  }
0x4f: {  	v1 =	vsel vm2, $0xFFFFFF80, v62  }
0x50: {  	v0 =	vsel vm2, $0xFFD8F000, v61;
	v63 =	vand.u32 $0xFFFFFC00, v1  }
0x51: {  	v1 =	vand.u32 $0x380, v1;
	v0 =	vadd.s32 v0, v63  }
0x52: {  	v0 =	vor.u32 v1, v0  }
0x53: {  	v0 =	vshrl.u32 v0, $0x3;
	_ =	sdelay $0x3  }
0x54: {  	s16 =	sadd.s32 $0x800, s17  }
0x55: {  	[tilespmem:s16], [sflag:$0x1] =	stream.indirect_vreg.gather [hbm:s4], $0x80, v0, vm0, $0x38;
	[tilespmem:$0x50A0] =	vst v63  }
0x56: {  	s16 =	sadd.s32 $0x400, s16  }
0x57: {  	[tilespmem:s16], [sflag:$0x1] =	stream.indirect_vreg.gather [hbm:s4], $0x80, v0, vm1, $0x38;
	[tilespmem:$0x50A0] =	vst v63  }
0x58: {  	s13 =	sshll.u32 s13, $0x4;
	_ =	swait.ge [sflag:s6], $0x2800  }
0x59: {  	s13 =	sadd.s32 s13, s9;
	[sflag:s6] =	ssyncset.done $0x0  }
0x5a: {  	s17 =	sadd.s32 $0x0, s13;
	s16 =	simm.s32 $0x80;
	[sflag:s6] =	ssyncadd.s32 $0xFFFFD800  }
.LBB2_5:
0x5b: {  	[hbm:s17] =	stream.linear.scatter [tilespmem:s14], [sflag:$0x3], $0x400, $0x38;
	[tilespmem:$0x50A0] =	vst v63  }
0x5c: {  	s17 =	smov.u32 s16;
	s14 =	smov.u32 s15;
	p1 =	sne.s32 s16, $0x480  }
.Ltmp4:
0x5d: {  	s16 =	sadd.s32 $0x80, s16;
	(pc) =	sbr.rel @p1 .LBB2_5-.Ltmp4, $2  }
0x5e: {  	_ =	sdelay $0x2  }
0x5f: {  	s15 =	sadd.s32 $0x400, s15;
	s17 =	sadd.s32 s17, s13  }
.Ltmp5:
0x60: {  	_ = 	snop;
	(pc) =	sbr.rel .LBB2_6-.Ltmp5, $1  }
0x61: {  	_ =	sdelay $0x3  }
.LBB2_8:
0x62: {  	_ =	sfence.sel $0x180000  }
0x63: {  	s2 =	simm.s32 $0x2;
	[bflag:$0x0] =	sbarrier.arrive $0xFFFF  }
0x64: {  	s30 =	simm.s32 $0x3;
	[sflag:s2] =	ssyncpa.u1 $0x1  }
0x65: {  	s31 =	simm.s32 $0x1;
	[sflag:s30] =	ssyncpa.u1 $0x1  }
0x66: {  	[sflag:s31] =	ssyncpa.u1 $0x1  }
0x67: {  	p0 =	sne.s32 s0, $0x0;
	_ =	strace $0x90000047  }
0x68: {  	s0 =	sadd.s32 @!p0 $0x100000, s1;
	[bflag:$0x2] =	sbarrier.arrive $0xFFFF  }
0x69: {  	[sflag:s0] =	ssyncadd.tile.s32 @!p0 $0x1;
	_ =	shalt  }
.Lfunc_end2:
_tile_overlayer_lowered:
.L_overlay_start_2:
0x6a: {  	(tag) =	ssettag $0x2  }
0x6b: {  	s0 =	rddreg [dreg:$0x0];
	s2 =	stileid.u32  }
0x6c: {  	s1 =	rddreg [dreg:$0x1];
	p0 =	sne.s32 s2, $0x0  }
0x6d: {  	s3 =	rddreg [dreg:$0x2];
	[bflag:$0x3] =	sbarrier.arrive $0xFFFF;
	s2 =	simm.s32 @!p0 $0x1C01  }
0x6e: {  	[timem:s3], [sflag:s2] =	dma.local @!p0 [hbm:s0], s1  }
0x6f: {  	s0 =	simm.s32 @!p0 $0x1  }
0x70: {  	_ =	swait.ge @!p0 [sflag:s0], s1  }
0x71: {  	s1 =	ssub.s32 @!p0 $0x0, s1;
	[sflag:s0] =	ssyncset.done @!p0 $0x0  }
0x72: {  	[sflag:s0] =	ssyncadd.s32 @!p0 s1  }
0x73: {  	[bflag:$0x3] =	sbarrier.arrive $0xFFFF  }
0x74: {  	_ =	shalt  }

// kernel: gather_offload_async_start.2
scs
__scs_entry_jumppad:
0x0: {  	(pc) =	sbr.rel $0x88, $3  }
0x1: {  	(tag) =	ssettag $0x0;
	lr =	simm.s32 $0x1  }
0x2: {  	[smem:$0x3F9C] =	sst lr;
	_ =	strace $0xD0000000  }
0x3: {  	_ = 	snop  }
0x4: {  	_ = 	snop  }
0x5: {  	_ = 	snop  }
0x6: {  	_ = 	snop  }
0x7: {  	_ = 	snop  }
__scs_overlays_trampoline_lowered:
0x8: {  	[smem:$0x3FAB] =	sst s0  }
0x9: {  	[smem:$0x3FAC] =	sst s1  }
0xa: {  	[smem:$0x3FAD] =	sst s2  }
0xb: {  	[smem:$0x3FAE] =	sst s3  }
0xc: {  	[smem:$0x3FAF] =	sst s4  }
0xd: {  	[smem:$0x3FB0] =	sst s5  }
0xe: {  	[smem:$0x3FB1] =	sst s6  }
0xf: {  	[smem:$0x3FB2] =	sst s7  }
0x10: {  	[smem:$0x3FB3] =	sst s8  }
0x11: {  	[smem:$0x3FB4] =	sst s9;
	s0 =	simm.s32 @!p0 $0x0  }
0x12: {  	s1 =	sld [smem:$0x3F9A];
	s0 =	simm.s32 @p0 $0x1  }
0x13: {  	[smem:$0x3FB5] =	sst s0;
	s0 =	simm.s32 @!p1 $0x0  }
0x14: {  	s2 =	sld [smem:$0x3F99];
	s0 =	simm.s32 @p1 $0x1  }
0x15: {  	[smem:$0x3FB6] =	sst s0;
	s0 =	simm.s32 @!p2 $0x0  }
0x16: {  	s3 =	sld [smem:$0x3FDB];
	s0 =	simm.s32 @p2 $0x1  }
0x17: {  	s4 =	simm.s32 $0x1BF5;
	[smem:$0x3FB8] =	sst s0  }
0x18: {  	s0 =	sld [smem:$0x3F9B];
	_ =	swait.ge [sflag:s4], $0x0  }
0x19: {  	s7 =	sld [smem:$0x3F9C]  }
0x1a: {  	s8 =	sadd.s32 $0xFFFFE003, lr  }
0x1b: {  	s9 =	sadd.s32 $0xFFFFFEF7, lr;
	s5 =	simm.s32 $0xFFFFFFFF;
	p2 =	slt.u32 s8, $0xFFFFF086  }
0x1c: {  	p1 =	slt.u32 s9, $0xF7A;
	s5 =	simm.s32 @!p2 $0x0  }
0x1d: {  	s5 =	simm.s32 @p1 $0x1;
	p0 =	seq.s32 s7, s2  }
0x1e: {  	s7 =	smul.u32 @!p0 $0xF7A, s2;
	p2 =	seq.s32 @!p0 s5, $0x0  }
0x1f: {  	s9 =	smul.u32 $0xF7A, s1;
	s8 =	simm.s32 @!p0 $0x1BF5;
	p2 =	por !p2, p0  }
0x20: {  	[sflag:s8] =	ssyncset.s32 @!p0 $0xFFFFF086;
	s6 =	sadd.s32 @!p0 s3, s7;
	s7 =	simm.s32 @!p0 $0x108  }
0x21: {  	s3 =	sadd.s32 s3, s9;
	s6 =	sadd.s32 @!p0 $0x88, s6;
	s7 =	simm.s32 @p2 $0x1082  }
0x22: {  	[simem:s7], [sflag:s8] =	dma.local @!p0 [hbm:s6], $0xF7A  }
0x23: {  	s9 =	sor.u32 $0xD0000000, s2;
	s6 =	simm.s32 $0x108;
	_ =	swait.ge @!p0 [sflag:s8], $0x0  }
0x24: {  	s3 =	sadd.s32 $0x88, s3;
	s6 =	simm.s32 @!p1 $0x1082;
	[sflag:s4] =	ssyncset.s32 $0xFFFFF086  }
0x25: {  	[simem:s6], [sflag:s4] =	dma.local [hbm:s3], $0xF7A  }
0x26: {  	[smem:$0x3F9C] =	sst s1;
	(tag) =	ssettag s2;
	_ =	strace s9  }
0x27: {  	s1 =	sld [smem:$0x3FAC]  }
0x28: {  	s2 =	sld [smem:$0x3FAD]  }
0x29: {  	s4 =	sld [smem:$0x3FAF]  }
0x2a: {  	p0 =	seq.s32 s5, $0x0;
	s5 =	sld [smem:$0x3FB0]  }
0x2b: {  	s6 =	sld [smem:$0x3FB1]  }
0x2c: {  	s7 =	sld [smem:$0x3FB2]  }
0x2d: {  	s3 =	simm.s32 $0x108;
	s8 =	sld [smem:$0x3FB3]  }
0x2e: {  	s3 =	simm.s32 @!p0 $0x1082;
	s9 =	sld [smem:$0x3FB4]  }
0x2f: {  	lr =	sadd.s32 s0, s3;
	s0 =	sld [smem:$0x3FAB]  }
0x30: {  	s3 =	sld [smem:$0x3FAE]  }
0x31: {  	[smem:$0x3FB7] =	sst s10  }
0x32: {  	s10 =	sld [smem:$0x3FB5];
	_ =	sdelay $0x3  }
0x33: {  	p0 =	seq.s32 s10, $0x1;
	s10 =	sld [smem:$0x3FB7];
	_ =	sdelay $0x3  }
0x34: {  	[smem:$0x3FB7] =	sst s10  }
0x35: {  	s10 =	sld [smem:$0x3FB6];
	_ =	sdelay $0x3  }
0x36: {  	p1 =	seq.s32 s10, $0x1;
	s10 =	sld [smem:$0x3FB7];
	_ =	sdelay $0x3  }
0x37: {  	[smem:$0x3FB7] =	sst s10  }
0x38: {  	s10 =	sld [smem:$0x3FB8]  }
0x39: {  	_ = 	snop;
	(pc) =	sbr.ind lr, $3  }
0x3a: {  	_ = 	snop  }
0x3b: {  	_ = 	snop  }
0x3c: {  	p2 =	seq.s32 s10, $0x1;
	s10 =	sld [smem:$0x3FB7]  }
0x3d: {  	_ =	shalt  }
0x3e: {  	_ =	shalt  }
0x3f: {  	_ =	shalt  }
0x40: {  	_ =	shalt  }
0x41: {  	_ =	shalt  }
0x42: {  	_ =	shalt  }
0x43: {  	_ =	shalt  }
0x44: {  	_ =	shalt  }
0x45: {  	_ =	shalt  }
0x46: {  	_ =	shalt  }
0x47: {  	_ =	shalt  }
0x48: {  	_ =	shalt  }
0x49: {  	_ =	shalt  }
0x4a: {  	_ =	shalt  }
0x4b: {  	_ =	shalt  }
0x4c: {  	_ =	shalt  }
0x4d: {  	_ =	shalt  }
0x4e: {  	_ =	shalt  }
0x4f: {  	_ =	shalt  }
0x50: {  	_ =	shalt  }
0x51: {  	_ =	shalt  }
0x52: {  	_ =	shalt  }
0x53: {  	_ =	shalt  }
0x54: {  	_ =	shalt  }
0x55: {  	_ =	shalt  }
0x56: {  	_ =	shalt  }
0x57: {  	_ =	shalt  }
0x58: {  	_ =	shalt  }
0x59: {  	_ =	shalt  }
0x5a: {  	_ =	shalt  }
0x5b: {  	_ =	shalt  }
0x5c: {  	_ =	shalt  }
0x5d: {  	_ =	shalt  }
0x5e: {  	_ =	shalt  }
0x5f: {  	_ =	shalt  }
0x60: {  	_ =	shalt  }
0x61: {  	_ =	shalt  }
0x62: {  	_ =	shalt  }
0x63: {  	_ =	shalt  }
0x64: {  	_ =	shalt  }
0x65: {  	_ =	shalt  }
0x66: {  	_ =	shalt  }
0x67: {  	_ =	shalt  }
0x68: {  	_ =	shalt  }
0x69: {  	_ =	shalt  }
0x6a: {  	_ =	shalt  }
0x6b: {  	_ =	shalt  }
0x6c: {  	_ =	shalt  }
0x6d: {  	_ =	shalt  }
0x6e: {  	_ =	shalt  }
0x6f: {  	_ =	shalt  }
0x70: {  	_ =	shalt  }
0x71: {  	_ =	shalt  }
0x72: {  	_ =	shalt  }
0x73: {  	_ =	shalt  }
0x74: {  	_ =	shalt  }
0x75: {  	_ =	shalt  }
0x76: {  	_ =	shalt  }
0x77: {  	_ =	shalt  }
0x78: {  	_ =	shalt  }
0x79: {  	_ =	shalt  }
0x7a: {  	_ =	shalt  }
0x7b: {  	_ =	shalt  }
0x7c: {  	_ =	shalt  }
0x7d: {  	_ =	shalt  }
0x7e: {  	_ =	shalt  }
0x7f: {  	_ =	shalt  }
0x80: {  	_ =	shalt  }
0x81: {  	_ =	shalt  }
0x82: {  	_ =	shalt  }
0x83: {  	_ =	shalt  }
0x84: {  	_ =	shalt  }
0x85: {  	_ =	shalt  }
0x86: {  	_ =	shalt  }
0x87: {  	_ =	shalt  }
.Lfunc_end0:
.L_simem_size_0:
called_computation.2_lowered:
.L_overlay_start_0:
0x88: {  	s2 =	sld [smem:$0x3FD9]  }
0x89: {  	s3 =	sld [smem:$0x3FFE];
	_ =	sdelay $0x1  }
0x8a: {  	s1 =	srdreg.scid  }
0x8b: {  	s0 =	sand.u32 $0x1, s1  }
0x8c: {  	s16 =	sshll.u32 s0, $0xA;
	s2 =	sadd.s32 s3, s2  }
0x8d: {  	s2 =	sadd.s32 s2, s16  }
0x8e: {  	[smem:$0x3FC3] =	sst s2  }
0x8f: {  	_ = 	snop  }
0x90: {  	(tm) =	ssettm $0x1  }
0x91: {  	s17 =	sld [smem:$0x3FFB];
	_ =	sdelay $0x3  }
0x92: {  	_ =	strace s17  }
0x93: {  	s2 =	sld [smem:$0x3FFC];
	_ =	sdelay $0x3  }
0x94: {  	_ =	strace s2  }
0x95: {  	s2 =	sld [smem:$0x3FFD];
	_ =	sdelay $0x3  }
0x96: {  	_ =	strace s2  }
0x97: {  	_ =	strace $0x8FFFFFFF  }
0x98: {  	s18 =	sld [smem:$0x3FDB];
	_ =	sdelay $0x1  }
0x99: {  	s19 =	simm.s32 $_scs_section_size  }
0x9a: {  	s4 =	simm.s32 $_size__tile_overlayer_lowered;
	s5 =	simm.s32 $_tile_overlayer_lowered  }
0x9b: {  	s22 =	simm.s32 $0x1BFF;
	s21 =	sshll.u32 s5, $0x1;
	s2 =	sadd.s32 s19, s18  }
0x9c: {  	s6 =	simm.s32 $0x0;
	s20 =	sshll.u32 s4, $0x1;
	s4 =	sadd.s32 s21, s2  }
0x9d: {  	[timem:s6], [sflag:s22] =	dma.local [hbm:s4], s20  }
0x9e: {  	_ =	swait.ge [sflag:s22], s20  }
0x9f: {  	s3 =	ssub.s32 $0x0, s20;
	[sflag:s22] =	ssyncset.done $0x0  }
0xa0: {  	[sflag:s22] =	ssyncadd.s32 s3;
	_ =	sdelay $0x1  }
0xa1: {  	s23 =	simm.s32 $0x1B8B  }
0xa2: {  	_ =	swait.ge [sflag:s23], $0x1  }
0xa3: {  	[sflag:s23] =	ssyncset.done $0x0  }
0xa4: {  	s25 =	simm.s32 $0x1B8E;
	s24 =	sld [smem:$0x3FFE];
	[sflag:s23] =	ssyncadd.s32 $0xFFFFFFFF  }
0xa5: {  	s26 =	simm.s32 $execute0_lowered;
	[smem:$0x3FD2] =	sst s25  }
0xa6: {  	s4 =	sshll.u32 s26, $0x1;
	_ =	strace $0x80000049;
	[dreg:$0x1] =	wrdreg $0xFFFFFFFF  }
0xa7: {  	s28 =	simm.s32 $_size_execute0_lowered;
	s2 =	sadd.s32 s2, s4;
	[dreg:$0x0] =	wrdreg $0x0  }
0xa8: {  	s4 =	sshll.u32 s28, $0x1;
	[dreg:$0x2] =	wrdreg s2  }
0xa9: {  	[dreg:$0x3] =	wrdreg s4  }
0xaa: {  	[dreg:$0x4] =	wrdreg $0xC0  }
0xab: {  	_ =	task [dreg:s6], $0x5FFFF  }
0xac: {  	[dreg:$0x1] =	wrdreg $0xFFFFFFFF  }
0xad: {  	[dreg:$0x0] =	wrdreg $0x60  }
0xae: {  	[dreg:$0x2] =	wrdreg s24  }
0xaf: {  	[dreg:$0x3] =	wrdreg $0x9  }
0xb0: {  	_ =	task.clear_ibuf [dreg:s6], $0x4FFFF;
	_ =	strace $0x90000049  }
0xb1: {  	s29 =	simm.s32 $0x9;
	_ =	strace $0x8000004B  }
0xb2: {  	_ =	swait.ge [sflag:s29], $0x1  }
0xb3: {  	[sflag:s29] =	ssyncadd.s32 $0xFFFFFFFF  }
0xb4: {  	_ =	strace $0x9000004B  }
0xb5: {  	_ =	sfence  }
0xb6: {  	s30 =	sld [smem:$0x0];
	_ =	sdelay $0x2  }
0xb7: {  	s31 =	sshll.u32 s1, $0xD;
	s1 =	sshrl.u32 s1, $0x2  }
0xb8: {  	s3 =	sand.u32 $0x4000, s31;
	s1 =	sadd.s32 s1, s30  }
0xb9: {  	s0 =	sor.u32 s3, s0;
	s1 =	sshll.u32 s1, $0x11  }
0xba: {  	s0 =	sor.u32 s1, s0  }
0xbb: {  	s0 =	sadd.s32 $0x8F2B, s0  }
0xbc: {  	[sflag:s0] =	ssyncadd.remote.s32 $0x1  }
0xbd: {  	_ =	sfence.sel $0xFFFF  }
0xbe: {  	[dreg:$0x0] =	wrdreg $0xFFFFFFFF;
	(pc) =	sbr.abs _section_cstart, $3  }
0xbf: {  	[dreg:$0x1] =	wrdreg $0xFFFFFFFF  }
0xc0: {  	_ =	task.clear_ibuf [dreg:s6], $0x2FFFF;
	_ =	strace $0x9FFFFFFF  }
0xc1: {  	(tm) =	ssettm $0x7FFFFFFF  }
tec
execute0_lowered:
.L_overlay_start_1:
0x0: {  	(tag) =	ssettag $0x1  }
0x1: {  	s0 =	stileid.u32  }
0x2: {  	s1 =	srdreg.scid;
	s2 =	rddreg [dreg:$0x0]  }
0x3: {  	s5 =	simm.s32 $0x1;
	s8 =	simm.s32 $0x1;
	s9 =	simm.s32 $0x3  }
0x4: {  	s10 =	simm.s32 $0x0;
	s3 =	sand.u32 $0x1, s1;
	s4 =	sshll.u32 s0, $0x1  }
0x5: {  	s13 =	simm.s32 $0x0;
	s12 =	simm.s32 $0x0;
	s6 =	sor.u32 s4, s3  }
0x6: {  	s1 =	rddreg [dreg:$0x1];
	_ =	strace $0x8000004A;
	s4 =	smul.u32 $0x50, s6  }
0x7: {  	s3 =	sadd.s32 $0x200, s2;
	p0 =	slt.u32 s6, $0x13;
	s6 =	simm.s32 $0xA00  }
.Ltmp0:
0x8: {  	s6 =	simm.s32 @!p0 $0x0;
	s7 =	ssub.s32 $0xFA0, s4;
	(pc) =	sbr.rel .LBB2_1-.Ltmp0, $4  }
0x9: {  	s8 =	simm.s32 @!p0 $0x0;
	p0 =	sne.s32 s7, s6;
	s7 =	simm.s32 $0x1  }
0xa: {  	[sflag:s5] =	ssyncpa.u1 $0x0;
	s6 =	simm.s32 $0x2;
	s7 =	simm.s32 @!p0 $0x0  }
0xb: {  	s11 =	smov.u32 s4;
	[sflag:s6] =	ssyncpa.u1 $0x0;
	s7 =	sadd.s32 s8, s7  }
0xc: {  	vm0 =	vmmov $0xffff;
	s8 =	sadd.s32 $0x186E00, s2;
	[sflag:s9] =	ssyncpa.u1 $0x0;
	s9 =	sadd.s32 $0x1, s7  }
.LBB2_4:
0xd: {  	v5 =	vld.msk [tilespmem:s18+$0x0 ss:$0x1], $0xffff  }
0xe: {  	v6 =	vand.u32 $0x3, v1;
	v7 =	vshrl.u32 v1, $0x2  }
0xf: {  	v3 =	vor.u32 v4, v3;
	vm1 =	veq.s32 v1, $0x80000000;
	v53 =	vand.u32 $0x3FF, v7  }
0x10: {  	v2 =	vor.u32 v2, v3;
	v54 =	vsel vm1, $0xFFFFFFFF, v6;
	v1 =	vsel vm1, $0xFFFFFFFF, v53  }
0x11: {  	v6 =	vshll.u32 v54, $0x7;
	v3 =	vand.u32 $0xFFFFF000, v54;
	v55 =	vand.u32 $0x7F, v1  }
0x12: {  	v1 =	vshll.u32 v1, $0x2;
	v6 =	vand.u32 $0x180, v6;
	v56 =	vshrl.u32 v5, $0x2  }
0x13: {  	v1 =	vand.u32 $0xFFFFFE00, v1;
	vm1 =	veq.s32 v5, $0x80000000;
	v57 =	vand.u32 $0x3FF, v56  }
0x14: {  	v1 =	vadd.s32 v3, v1;
	v5 =	vand.u32 $0x3, v5;
	v3 =	vsel vm1, $0xFFFFFFFF, v57  }
0x15: {  	v1 =	vor.u32 v6, v1;
	v5 =	vsel vm1, $0xFFFFFFFF, v5;
	v58 =	vshll.u32 v3, $0x2  }
0x16: {  	v59 =	vshll.u32 v5, $0x7;
	v5 =	vand.u32 $0xFFFFF000, v5;
	v6 =	vand.u32 $0xFFFFFE00, v58  }
0x17: {  	v1 =	vor.u32 v55, v1;
	v61 =	vand.u32 $0x180, v59;
	v60 =	vadd.s32 v5, v6  }
0x18: {  	[tilespmem:s16], [sflag:$0x1] =	stream.indirect_vreg.gather [hbm4b:s2+s10], $0x1, v0, vm0, $0x4038;
	v62 =	vand.u32 $0x7F, v3;
	v63 =	vor.u32 v61, v60;
	[tilespmem:$0x140] =	vst v63  }
0x19: {  	(ifvalue) =	ssetifvalue $0x7FFFFFFF;
	v0 =	vor.u32 v62, v63  }
0x1a: {  	[tilespmem:s15], [sflag:$0x1] =	stream.indirect_vreg.gather [hbm4b:s2+s10], $0x1, v2, vm0, $0x4038;
	[tilespmem:$0x140] =	vst v63  }
0x1b: {  	s29 =	sadd.s32 $0x10, s15;
	(ifvalue) =	ssetifvalue $0x7FFFFFFF  }
0x1c: {  	[tilespmem:s29], [sflag:$0x1] =	stream.indirect_vreg.gather [hbm4b:s2+s10], $0x1, v1, vm0, $0x4038;
	[tilespmem:$0x140] =	vst v63  }
0x1d: {  	s15 =	sadd.s32 $0x10, s29;
	(ifvalue) =	ssetifvalue $0x7FFFFFFF  }
0x1e: {  	[tilespmem:s15], [sflag:$0x1] =	stream.indirect_vreg.gather [hbm4b:s2+s10], $0x1, v0, vm0, $0x4038;
	[tilespmem:$0x140] =	vst v63  }
0x1f: {  	_ =	swait.ge [sflag:s5], $0x50  }
0x20: {  	s30 =	sshrl.u32 s13, $0x3;
	[sflag:s5] =	ssyncset.done $0x0  }
0x21: {  	s31 =	sand.u32 $0x7, s13;
	s15 =	sadd.s32 s8, s30;
	[sflag:s5] =	ssyncadd.s32 $0xFFFFFFB0  }
0x22: {  	[hbm4b:s15+s31] =	stream.linear.scatter [tilespmem:s14], [sflag:$0x3], $0x50, $0x38;
	[tilespmem:$0x140] =	vst v63  }
.LBB2_5:
0x23: {  	s15 =	sadd.s32 $0xA00, s11  }
0x24: {  	p1 =	sgt.s32 s15, $0xF9F  }
0x25: {  	s15 =	smov.u32 @p1 s4;
	p1 =	sne.s32 s12, s9  }
.Ltmp1:
0x26: {  	p0 =	slt.u32 s12, $0x2;
	(pc) =	sbr.rel @!p1 .LBB2_6-.Ltmp1, $4  }
0x27: {  	s14 =	simm.s32 @!p0 $0x3  }
0x28: {  	_ =	swait.ge @!p0 [sflag:s14], $0x50  }
0x29: {  	s16 =	sadd.s32 $0x1, s12;
	s13 =	smov.u32 s11;
	[sflag:s14] =	ssyncset.done @!p0 $0x0  }
0x2a: {  	s12 =	smov.u32 s16;
	s11 =	smov.u32 s15;
	[sflag:s14] =	ssyncadd.s32 @!p0 $0xFFFFFFB0  }
.LBB2_1:
0x2b: {  	p0 =	sge.u32 s12, s7  }
0x2c: {  	s14 =	sxor.u32 @!p0 $0x1, s12  }
0x2d: {  	s14 =	smul.u32 @!p0 $0x140, s14  }
0x2e: {  	s31 =	sadd.s32 $0xFFFFFFFF, s12;
	s15 =	sshrl.u32 @!p0 s11, $0x3  }
0x2f: {  	s16 =	sand.u32 @!p0 $0x7, s11;
	s15 =	sadd.s32 @!p0 s3, s15;
	s14 =	sshra.s32 @!p0 s14, $0x2  }
0x30: {  	[tilespmem:s14], [sflag:$0x2] =	stream.linear.gather @!p0 [hbm4b:s15+s16], $0x50, $0x38;
	[tilespmem:$0x140] =	vst v63  }
0x31: {  	p0 =	sge.u32 s31, s7  }
.Ltmp2:
0x32: {  	_ = 	snop;
	(pc) =	sbr.rel @p0 .LBB2_5-.Ltmp2, $1  }
0x33: {  	_ =	sdelay $0x3  }
0x34: {  	s14 =	sand.u32 $0x1, s12  }
0x35: {  	_ =	swait.ge [sflag:s6], $0x50;
	p0 =	seq.s32 s14, $0x1;
	s14 =	simm.s32 $0x50  }
0x36: {  	[sflag:s6] =	ssyncset.done $0x0;
	s14 =	simm.s32 @!p0 $0x0  }
0x37: {  	[sflag:s6] =	ssyncadd.s32 $0xFFFFFFB0;
	(ifvalue) =	ssetifvalue $0x7FFFFFFF;
	v0 =	vld.msk [tilespmem:s14+$0x0 ss:$0x1], $0xffff;
	_ =	sdelay $0x4  }
0x38: {  	s15 =	sadd.s32 $0x10, s14;
	v2 =	vshrl.u32 v0, $0x2  }
0x39: {  	v1 =	vld.msk [tilespmem:s15+$0x0 ss:$0x1], $0xffff;
	vm1 =	veq.s32 v0, $0x80000000;
	v2 =	vand.u32 $0x3FF, v2  }
0x3a: {  	v0 =	vand.u32 $0x3, v0;
	v2 =	vsel vm1, $0xFFFFFFFF, v2  }
0x3b: {  	v0 =	vsel vm1, $0xFFFFFFFF, v0;
	v3 =	vshll.u32 v2, $0x2  }
0x3c: {  	v4 =	vand.u32 $0xFFFFF000, v0;
	v0 =	vshll.u32 v0, $0x7;
	v3 =	vand.u32 $0xFFFFFE00, v3  }
0x3d: {  	v0 =	vand.u32 $0x180, v0;
	v3 =	vadd.s32 v4, v3  }
0x3e: {  	v2 =	vand.u32 $0x7F, v2;
	v4 =	vshrl.u32 v1, $0x2;
	v0 =	vor.u32 v0, v3  }
0x3f: {  	vm1 =	veq.s32 v1, $0x80000000;
	v4 =	vand.u32 $0x3FF, v4;
	v0 =	vor.u32 v2, v0  }
0x40: {  	s15 =	sadd.s32 $0x10, s15;
	v1 =	vand.u32 $0x3, v1;
	v3 =	vsel vm1, $0xFFFFFFFF, v4  }
0x41: {  	s14 =	sor.u32 $0xA0, s14;
	v2 =	vsel vm1, $0xFFFFFFFF, v1;
	v1 =	vld.msk [tilespmem:s15+$0x0 ss:$0x1], $0xffff;
	v4 =	vshll.u32 v3, $0x2  }
0x42: {  	s17 =	simm.s32 $0x30;
	s16 =	smov.u32 s14;
	v5 =	vshll.u32 v2, $0x7;
	v6 =	vand.u32 $0xFFFFF000, v2;
	v4 =	vand.u32 $0xFFFFFE00, v4  }
0x43: {  	s18 =	sadd.s32 $0x10, s15;
	(ifvalue) =	ssetifvalue $0x7FFFFFFF;
	s15 =	sadd.s32 $0x10, s14;
	v2 =	vand.u32 $0x7F, v3;
	v3 =	vadd.s32 v6, v4;
	v4 =	vand.u32 $0x180, v5  }
.LBB2_3:
0x44: {  	[tilespmem:s16], [sflag:$0x1] =	stream.indirect_vreg.gather [hbm4b:s2+s10], $0x1, v0, vm0, $0x4038;
	[tilespmem:$0x140] =	vst v63  }
0x45: {  	s17 =	sadd.s32 $0x10, s17  }
0x46: {  	v5 =	vand.u32 $0x3, v1;
	v6 =	vshrl.u32 v1, $0x2;
	v3 =	vor.u32 v4, v3;
	v0 =	vmovc v1;
	v1 =	vld.msk [tilespmem:s18+$0x0 ss:$0x1], $0xffff;
	p0 =	slt.u32 s17, $0x40  }
.Ltmp3:
0x47: {  	s16 =	smov.u32 s15;
	vm1 =	veq.s32 v0, $0x80000000;
	v4 =	vand.u32 $0x3FF, v6;
	v0 =	vor.u32 v2, v3;
	(pc) =	sbr.rel @p0 .LBB2_3-.Ltmp3, $4  }
0x48: {  	v3 =	vsel vm1, $0xFFFFFFFF, v5;
	v4 =	vsel vm1, $0xFFFFFFFF, v4  }
0x49: {  	v2 =	vand.u32 $0x7F, v4;
	v4 =	vshll.u32 v4, $0x2;
	v5 =	vshll.u32 v3, $0x7  }
0x4a: {  	v3 =	vand.u32 $0xFFFFF000, v3;
	v4 =	vand.u32 $0xFFFFFE00, v4  }
0x4b: {  	s18 =	sadd.s32 $0x10, s18;
	s15 =	sadd.s32 $0x10, s15;
	v3 =	vadd.s32 v3, v4;
	v4 =	vand.u32 $0x180, v5;
	(ifvalue) =	ssetifvalue $0x7FFFFFFF  }
.Ltmp4:
0x4c: {  	_ = 	snop;
	(pc) =	sbr.rel .LBB2_4-.Ltmp4, $1  }
0x4d: {  	_ =	sdelay $0x3  }
.LBB2_6:
0x4e: {  	_ =	sfence.sel $0x180000  }
0x4f: {  	s2 =	simm.s32 $0x2;
	[bflag:$0x0] =	sbarrier.arrive $0xFFFF  }
0x50: {  	s30 =	simm.s32 $0x3;
	[sflag:s2] =	ssyncpa.u1 $0x1  }
0x51: {  	s31 =	simm.s32 $0x1;
	[sflag:s30] =	ssyncpa.u1 $0x1  }
0x52: {  	[sflag:s31] =	ssyncpa.u1 $0x1  }
0x53: {  	p0 =	sne.s32 s0, $0x0;
	_ =	strace $0x9000004A  }
0x54: {  	s0 =	sadd.s32 @!p0 $0x100000, s1;
	[bflag:$0x2] =	sbarrier.arrive $0xFFFF  }
0x55: {  	[sflag:s0] =	ssyncadd.tile.s32 @!p0 $0x1;
	_ =	shalt  }
.Lfunc_end2:
_tile_overlayer_lowered:
.L_overlay_start_2:
0x56: {  	(tag) =	ssettag $0x2  }
0x57: {  	s0 =	rddreg [dreg:$0x0];
	s2 =	stileid.u32  }
0x58: {  	s1 =	rddreg [dreg:$0x1];
	p0 =	sne.s32 s2, $0x0  }
0x59: {  	s3 =	rddreg [dreg:$0x2];
	[bflag:$0x3] =	sbarrier.arrive $0xFFFF;
	s2 =	simm.s32 @!p0 $0x1C01  }
0x5a: {  	[timem:s3], [sflag:s2] =	dma.local @!p0 [hbm:s0], s1  }
0x5b: {  	s0 =	simm.s32 @!p0 $0x1  }
0x5c: {  	_ =	swait.ge @!p0 [sflag:s0], s1  }
0x5d: {  	s1 =	ssub.s32 @!p0 $0x0, s1;
	[sflag:s0] =	ssyncset.done @!p0 $0x0  }
0x5e: {  	[sflag:s0] =	ssyncadd.s32 @!p0 s1  }
0x5f: {  	[bflag:$0x3] =	sbarrier.arrive $0xFFFF  }
0x60: {  	_ =	shalt  }

// kernel: gather_offload_async_start.3
scs
__scs_entry_jumppad:
0x0: {  	(pc) =	sbr.rel $0x88, $3  }
0x1: {  	(tag) =	ssettag $0x0;
	lr =	simm.s32 $0x1  }
0x2: {  	[smem:$0x3F9C] =	sst lr;
	_ =	strace $0xD0000000  }
0x3: {  	_ = 	snop  }
0x4: {  	_ = 	snop  }
0x5: {  	_ = 	snop  }
0x6: {  	_ = 	snop  }
0x7: {  	_ = 	snop  }
__scs_overlays_trampoline_lowered:
0x8: {  	[smem:$0x3FAB] =	sst s0  }
0x9: {  	[smem:$0x3FAC] =	sst s1  }
0xa: {  	[smem:$0x3FAD] =	sst s2  }
0xb: {  	[smem:$0x3FAE] =	sst s3  }
0xc: {  	[smem:$0x3FAF] =	sst s4  }
0xd: {  	[smem:$0x3FB0] =	sst s5  }
0xe: {  	[smem:$0x3FB1] =	sst s6  }
0xf: {  	[smem:$0x3FB2] =	sst s7  }
0x10: {  	[smem:$0x3FB3] =	sst s8  }
0x11: {  	[smem:$0x3FB4] =	sst s9;
	s0 =	simm.s32 @!p0 $0x0  }
0x12: {  	s1 =	sld [smem:$0x3F9A];
	s0 =	simm.s32 @p0 $0x1  }
0x13: {  	[smem:$0x3FB5] =	sst s0;
	s0 =	simm.s32 @!p1 $0x0  }
0x14: {  	s2 =	sld [smem:$0x3F99];
	s0 =	simm.s32 @p1 $0x1  }
0x15: {  	[smem:$0x3FB6] =	sst s0;
	s0 =	simm.s32 @!p2 $0x0  }
0x16: {  	s3 =	sld [smem:$0x3FDB];
	s0 =	simm.s32 @p2 $0x1  }
0x17: {  	s4 =	simm.s32 $0x1BF5;
	[smem:$0x3FB8] =	sst s0  }
0x18: {  	s0 =	sld [smem:$0x3F9B];
	_ =	swait.ge [sflag:s4], $0x0  }
0x19: {  	s7 =	sld [smem:$0x3F9C]  }
0x1a: {  	s8 =	sadd.s32 $0xFFFFE003, lr  }
0x1b: {  	s9 =	sadd.s32 $0xFFFFFEF7, lr;
	s5 =	simm.s32 $0xFFFFFFFF;
	p2 =	slt.u32 s8, $0xFFFFF086  }
0x1c: {  	p1 =	slt.u32 s9, $0xF7A;
	s5 =	simm.s32 @!p2 $0x0  }
0x1d: {  	s5 =	simm.s32 @p1 $0x1;
	p0 =	seq.s32 s7, s2  }
0x1e: {  	s7 =	smul.u32 @!p0 $0xF7A, s2;
	p2 =	seq.s32 @!p0 s5, $0x0  }
0x1f: {  	s9 =	smul.u32 $0xF7A, s1;
	s8 =	simm.s32 @!p0 $0x1BF5;
	p2 =	por !p2, p0  }
0x20: {  	[sflag:s8] =	ssyncset.s32 @!p0 $0xFFFFF086;
	s6 =	sadd.s32 @!p0 s3, s7;
	s7 =	simm.s32 @!p0 $0x108  }
0x21: {  	s3 =	sadd.s32 s3, s9;
	s6 =	sadd.s32 @!p0 $0x88, s6;
	s7 =	simm.s32 @p2 $0x1082  }
0x22: {  	[simem:s7], [sflag:s8] =	dma.local @!p0 [hbm:s6], $0xF7A  }
0x23: {  	s9 =	sor.u32 $0xD0000000, s2;
	s6 =	simm.s32 $0x108;
	_ =	swait.ge @!p0 [sflag:s8], $0x0  }
0x24: {  	s3 =	sadd.s32 $0x88, s3;
	s6 =	simm.s32 @!p1 $0x1082;
	[sflag:s4] =	ssyncset.s32 $0xFFFFF086  }
0x25: {  	[simem:s6], [sflag:s4] =	dma.local [hbm:s3], $0xF7A  }
0x26: {  	[smem:$0x3F9C] =	sst s1;
	(tag) =	ssettag s2;
	_ =	strace s9  }
0x27: {  	s1 =	sld [smem:$0x3FAC]  }
0x28: {  	s2 =	sld [smem:$0x3FAD]  }
0x29: {  	s4 =	sld [smem:$0x3FAF]  }
0x2a: {  	p0 =	seq.s32 s5, $0x0;
	s5 =	sld [smem:$0x3FB0]  }
0x2b: {  	s6 =	sld [smem:$0x3FB1]  }
0x2c: {  	s7 =	sld [smem:$0x3FB2]  }
0x2d: {  	s3 =	simm.s32 $0x108;
	s8 =	sld [smem:$0x3FB3]  }
0x2e: {  	s3 =	simm.s32 @!p0 $0x1082;
	s9 =	sld [smem:$0x3FB4]  }
0x2f: {  	lr =	sadd.s32 s0, s3;
	s0 =	sld [smem:$0x3FAB]  }
0x30: {  	s3 =	sld [smem:$0x3FAE]  }
0x31: {  	[smem:$0x3FB7] =	sst s10  }
0x32: {  	s10 =	sld [smem:$0x3FB5];
	_ =	sdelay $0x3  }
0x33: {  	p0 =	seq.s32 s10, $0x1;
	s10 =	sld [smem:$0x3FB7];
	_ =	sdelay $0x3  }
0x34: {  	[smem:$0x3FB7] =	sst s10  }
0x35: {  	s10 =	sld [smem:$0x3FB6];
	_ =	sdelay $0x3  }
0x36: {  	p1 =	seq.s32 s10, $0x1;
	s10 =	sld [smem:$0x3FB7];
	_ =	sdelay $0x3  }
0x37: {  	[smem:$0x3FB7] =	sst s10  }
0x38: {  	s10 =	sld [smem:$0x3FB8]  }
0x39: {  	_ = 	snop;
	(pc) =	sbr.ind lr, $3  }
0x3a: {  	_ = 	snop  }
0x3b: {  	_ = 	snop  }
0x3c: {  	p2 =	seq.s32 s10, $0x1;
	s10 =	sld [smem:$0x3FB7]  }
0x3d: {  	_ =	shalt  }
0x3e: {  	_ =	shalt  }
0x3f: {  	_ =	shalt  }
0x40: {  	_ =	shalt  }
0x41: {  	_ =	shalt  }
0x42: {  	_ =	shalt  }
0x43: {  	_ =	shalt  }
0x44: {  	_ =	shalt  }
0x45: {  	_ =	shalt  }
0x46: {  	_ =	shalt  }
0x47: {  	_ =	shalt  }
0x48: {  	_ =	shalt  }
0x49: {  	_ =	shalt  }
0x4a: {  	_ =	shalt  }
0x4b: {  	_ =	shalt  }
0x4c: {  	_ =	shalt  }
0x4d: {  	_ =	shalt  }
0x4e: {  	_ =	shalt  }
0x4f: {  	_ =	shalt  }
0x50: {  	_ =	shalt  }
0x51: {  	_ =	shalt  }
0x52: {  	_ =	shalt  }
0x53: {  	_ =	shalt  }
0x54: {  	_ =	shalt  }
0x55: {  	_ =	shalt  }
0x56: {  	_ =	shalt  }
0x57: {  	_ =	shalt  }
0x58: {  	_ =	shalt  }
0x59: {  	_ =	shalt  }
0x5a: {  	_ =	shalt  }
0x5b: {  	_ =	shalt  }
0x5c: {  	_ =	shalt  }
0x5d: {  	_ =	shalt  }
0x5e: {  	_ =	shalt  }
0x5f: {  	_ =	shalt  }
0x60: {  	_ =	shalt  }
0x61: {  	_ =	shalt  }
0x62: {  	_ =	shalt  }
0x63: {  	_ =	shalt  }
0x64: {  	_ =	shalt  }
0x65: {  	_ =	shalt  }
0x66: {  	_ =	shalt  }
0x67: {  	_ =	shalt  }
0x68: {  	_ =	shalt  }
0x69: {  	_ =	shalt  }
0x6a: {  	_ =	shalt  }
0x6b: {  	_ =	shalt  }
0x6c: {  	_ =	shalt  }
0x6d: {  	_ =	shalt  }
0x6e: {  	_ =	shalt  }
0x6f: {  	_ =	shalt  }
0x70: {  	_ =	shalt  }
0x71: {  	_ =	shalt  }
0x72: {  	_ =	shalt  }
0x73: {  	_ =	shalt  }
0x74: {  	_ =	shalt  }
0x75: {  	_ =	shalt  }
0x76: {  	_ =	shalt  }
0x77: {  	_ =	shalt  }
0x78: {  	_ =	shalt  }
0x79: {  	_ =	shalt  }
0x7a: {  	_ =	shalt  }
0x7b: {  	_ =	shalt  }
0x7c: {  	_ =	shalt  }
0x7d: {  	_ =	shalt  }
0x7e: {  	_ =	shalt  }
0x7f: {  	_ =	shalt  }
0x80: {  	_ =	shalt  }
0x81: {  	_ =	shalt  }
0x82: {  	_ =	shalt  }
0x83: {  	_ =	shalt  }
0x84: {  	_ =	shalt  }
0x85: {  	_ =	shalt  }
0x86: {  	_ =	shalt  }
0x87: {  	_ =	shalt  }
.Lfunc_end0:
.L_simem_size_0:
called_computation.3_lowered:
.L_overlay_start_0:
0x88: {  	s2 =	sld [smem:$0x3FD9]  }
0x89: {  	s3 =	sld [smem:$0x3FFE];
	_ =	sdelay $0x1  }
0x8a: {  	s1 =	srdreg.scid  }
0x8b: {  	s0 =	sand.u32 $0x1, s1  }
0x8c: {  	s17 =	sshll.u32 s0, $0xA;
	s2 =	sadd.s32 s3, s2  }
0x8d: {  	s2 =	sadd.s32 s2, s17  }
0x8e: {  	[smem:$0x3FC3] =	sst s2  }
0x8f: {  	_ = 	snop  }
0x90: {  	(tm) =	ssettm $0x1  }
0x91: {  	s18 =	sld [smem:$0x3FFB];
	_ =	sdelay $0x3  }
0x92: {  	_ =	strace s18  }
0x93: {  	s2 =	sld [smem:$0x3FFC];
	_ =	sdelay $0x3  }
0x94: {  	_ =	strace s2  }
0x95: {  	s2 =	sld [smem:$0x3FFD];
	_ =	sdelay $0x3  }
0x96: {  	_ =	strace s2  }
0x97: {  	_ =	strace $0x8FFFFFFF  }
0x98: {  	s19 =	sld [smem:$0x3FDB];
	_ =	sdelay $0x1  }
0x99: {  	s20 =	simm.s32 $_scs_section_size  }
0x9a: {  	s4 =	simm.s32 $_size__tile_overlayer_lowered;
	s5 =	simm.s32 $_tile_overlayer_lowered  }
0x9b: {  	s6 =	simm.s32 $0x1BFF;
	s21 =	sshll.u32 s5, $0x1;
	s3 =	sadd.s32 s20, s19  }
0x9c: {  	s22 =	simm.s32 $0x0;
	s4 =	sshll.u32 s4, $0x1;
	s5 =	sadd.s32 s21, s3  }
0x9d: {  	[timem:s22], [sflag:s6] =	dma.local [hbm:s5], s4  }
0x9e: {  	_ =	swait.ge [sflag:s6], s4  }
0x9f: {  	s4 =	ssub.s32 $0x0, s4;
	[sflag:s6] =	ssyncset.done $0x0  }
0xa0: {  	[sflag:s6] =	ssyncadd.s32 s4;
	_ =	sdelay $0x1  }
0xa1: {  	s23 =	simm.s32 $0x1B8B  }
0xa2: {  	_ =	swait.ge [sflag:s23], $0x1  }
0xa3: {  	[sflag:s23] =	ssyncset.done $0x0  }
0xa4: {  	[sflag:s23] =	ssyncadd.s32 $0xFFFFFFFF  }
0xa5: {  	s4 =	sld [smem:$0x0]  }
0xa6: {  	s5 =	sand.u32 $0xFFFFFFFE, s1  }
0xa7: {  	p0 =	sne.s32 s1, s5  }
0xa8: {  	s5 =	sshll.u32 @p0 s5, $0xE  }
0xa9: {  	s5 =	sadd.s32 @p0 $0x11B8D, s5;
	s6 =	sshll.u32 @p0 s4, $0x11  }
0xaa: {  	s5 =	sor.u32 @p0 s6, s5  }
0xab: {  	[sflag:s5] =	ssyncadd.remote.s32 @p0 $0x1;
	_ =	sdelay $0x1  }
0xac: {  	s5 =	simm.s32 @p0 $0x1B8D  }
0xad: {  	_ =	swait.eq @p0 [sflag:s5], $0x1  }
0xae: {  	[sflag:s5] =	ssyncadd.s32 @p0 $0xFFFFFFFF  }
0xaf: {  	s6 =	sshll.u32 @!p0 s1, $0xE  }
0xb0: {  	s6 =	sor.u32 @!p0 $0x4000, s6;
	s5 =	simm.s32 @!p0 $0x1B8D  }
0xb1: {  	s4 =	sshll.u32 @!p0 s4, $0x11;
	s6 =	sadd.s32 @!p0 $0x11B8D, s6;
	_ =	swait.eq @!p0 [sflag:s5], $0x1  }
0xb2: {  	s4 =	sor.u32 @!p0 s4, s6;
	[sflag:s5] =	ssyncadd.s32 @!p0 $0xFFFFFFFF  }
0xb3: {  	s25 =	simm.s32 $0x1B8E;
	s24 =	sld [smem:$0x3FFE];
	[sflag:s4] =	ssyncadd.remote.s32 @!p0 $0x1  }
0xb4: {  	s26 =	simm.s32 $execute0_lowered;
	[smem:$0x3FD2] =	sst s25  }
0xb5: {  	s5 =	sshll.u32 s26, $0x1;
	_ =	strace $0x8000004F;
	[dreg:$0x1] =	wrdreg $0xFFFFFFFF  }
0xb6: {  	s28 =	simm.s32 $_size_execute0_lowered;
	s3 =	sadd.s32 s3, s5;
	[dreg:$0x0] =	wrdreg $0x0  }
0xb7: {  	s5 =	sshll.u32 s28, $0x1;
	[dreg:$0x2] =	wrdreg s3  }
0xb8: {  	[dreg:$0x3] =	wrdreg s5  }
0xb9: {  	[dreg:$0x4] =	wrdreg $0xC0  }
0xba: {  	_ =	task [dreg:s22], $0x5FFFF  }
0xbb: {  	[dreg:$0x1] =	wrdreg $0xFFFFFFFF  }
0xbc: {  	[dreg:$0x0] =	wrdreg $0x60  }
0xbd: {  	[dreg:$0x2] =	wrdreg s24  }
0xbe: {  	[dreg:$0x3] =	wrdreg $0xA  }
0xbf: {  	_ =	task.clear_ibuf [dreg:s22], $0x4FFFF;
	_ =	strace $0x9000004F  }
0xc0: {  	s29 =	simm.s32 $0xA;
	_ =	strace $0x80000051  }
0xc1: {  	_ =	swait.ge [sflag:s29], $0x1  }
0xc2: {  	[sflag:s29] =	ssyncadd.s32 $0xFFFFFFFF  }
0xc3: {  	_ =	strace $0x90000051  }
0xc4: {  	_ =	sfence  }
0xc5: {  	s30 =	sld [smem:$0x0];
	_ =	sdelay $0x2  }
0xc6: {  	s31 =	sshll.u32 s1, $0xD;
	s1 =	sshrl.u32 s1, $0x2  }
0xc7: {  	s4 =	sand.u32 $0x4000, s31;
	s1 =	sadd.s32 s1, s30  }
0xc8: {  	s0 =	sor.u32 s4, s0;
	s1 =	sshll.u32 s1, $0x11  }
0xc9: {  	s0 =	sor.u32 s1, s0  }
0xca: {  	s0 =	sadd.s32 $0x8F2B, s0  }
0xcb: {  	[sflag:s0] =	ssyncadd.remote.s32 $0x1  }
0xcc: {  	_ =	sfence.sel $0xFFFF  }
0xcd: {  	[dreg:$0x0] =	wrdreg $0xFFFFFFFF;
	(pc) =	sbr.abs _section_cstart, $3  }
0xce: {  	[dreg:$0x1] =	wrdreg $0xFFFFFFFF  }
0xcf: {  	_ =	task.clear_ibuf [dreg:s22], $0x2FFFF;
	_ =	strace $0x9FFFFFFF  }
0xd0: {  	(tm) =	ssettm $0x7FFFFFFF  }
0xd1: {  	_ =	shalt  }
tec
execute0_lowered:
.L_overlay_start_1:
0x0: {  	(tag) =	ssettag $0x1  }
0x1: {  	s0 =	srdreg.scid  }
0x2: {  	s1 =	sshll.u32 s0, $0x4  }
0x3: {  	s0 =	stileid.u32;
	s1 =	sand.u32 $0x10, s1  }
0x4: {  	s1 =	sor.u32 s0, s1  }
0x5: {  	s2 =	smin.u32 s1, $0x12  }
0x6: {  	s2 =	sadd.s32 s1, s2  }
0x7: {  	p0 =	slt.u32 s1, $0x12;
	s1 =	simm.s32 $0xA0;
	s2 =	smul.u32 $0x50, s2  }
0x8: {  	s1 =	simm.s32 @!p0 $0x50  }
0x9: {  	s1 =	sadd.s32 s1, s2  }
0xa: {  	s3 =	smin.u32 s1, $0xFA0  }
0xb: {  	s7 =	ssub.s32 s3, s2  }
0xc: {  	p0 =	sgt.s32 s7, $0x0  }
0xd: {  	s7 =	simm.s32 @!p0 $0x0  }
0xe: {  	s31 =	smul.u32 $0xCCCD, s7  }
0xf: {  	s9 =	rddreg [dreg:$0x0];
	s6 =	simm.s32 $0x1;
	s11 =	simm.s32 $0x3  }
0x10: {  	s13 =	simm.s32 $0x0;
	s12 =	simm.s32 $0x0;
	s8 =	sshrl.u32 s31, $0x16  }
0x11: {  	s4 =	sadd.s32 $0x400, s9;
	s5 =	sadd.s32 $0x200, s9;
	s10 =	smul.u32 $0x50, s8  }
.Ltmp0:
0x12: {  	s9 =	sadd.s32 $0x196800, s9;
	s1 =	rddreg [dreg:$0x1];
	(pc) =	sbr.rel .LBB2_1-.Ltmp0, $4  }
0x13: {  	_ =	strace $0x80000050;
	p0 =	sne.s32 s7, s10;
	s10 =	simm.s32 $0x1  }
0x14: {  	[sflag:s6] =	ssyncpa.u1 $0x0;
	s7 =	simm.s32 $0x2;
	s10 =	simm.s32 @!p0 $0x0  }
0x15: {  	[sflag:s7] =	ssyncpa.u1 $0x0;
	p0 =	por $0x0, $0x0;
	s8 =	sadd.s32 s8, s10  }
0x16: {  	vm0 =	vmmov $0xff;
	vm1 =	vcmask $0x3F20;
	[sflag:s11] =	ssyncpa.u1 $0x0;
	s11 =	smov.u32 s2;
	s10 =	sadd.s32 $0x1, s8  }
.LBB2_6:
0x17: {  	[hbm:s17] =	stream.linear.scatter [tilespmem:s14], [sflag:$0x3], $0x400, $0x38;
	[tilespmem:$0x50A0] =	vst v63  }
.LBB2_7:
0x18: {  	s13 =	sadd.s32 $0x50, s11  }
0x19: {  	s15 =	smov.u32 s2;
	p2 =	slt.s32 s13, s3  }
0x1a: {  	s15 =	smov.u32 @p2 s13;
	p2 =	sne.s32 s12, s10  }
.Ltmp1:
0x1b: {  	p1 =	slt.u32 s12, $0x2;
	(pc) =	sbr.rel @!p2 .LBB2_8-.Ltmp1, $4  }
0x1c: {  	s14 =	simm.s32 @!p1 $0x3  }
0x1d: {  	s16 =	sadd.s32 $0x1, s12;
	_ =	swait.ge @!p1 [sflag:s14], $0x2800  }
0x1e: {  	p0 =	por !p0, !p0;
	s13 =	smov.u32 s11;
	[sflag:s14] =	ssyncset.done @!p1 $0x0  }
0x1f: {  	s12 =	smov.u32 s16;
	s11 =	smov.u32 s15;
	[sflag:s14] =	ssyncadd.s32 @!p1 $0xFFFFD800  }
.LBB2_1:
0x20: {  	p1 =	sge.u32 s12, s8  }
0x21: {  	s14 =	sxor.u32 @!p1 $0xFFFFFFFF, s12  }
0x22: {  	s14 =	sand.u32 @!p1 $0x1, s14  }
0x23: {  	s14 =	smul.u32 @!p1 $0x140, s14  }
0x24: {  	s31 =	sadd.s32 $0xFFFFFFFF, s12;
	s15 =	sshrl.u32 @!p1 s11, $0x3  }
0x25: {  	s16 =	sand.u32 @!p1 $0x7, s11;
	s15 =	sadd.s32 @!p1 s5, s15;
	s14 =	sshrl.u32 @!p1 s14, $0x2  }
0x26: {  	[tilespmem:s14], [sflag:$0x2] =	stream.linear.gather @!p1 [hbm4b:s15+s16], $0x50, $0x38;
	[tilespmem:$0x50A0] =	vst v63  }
0x27: {  	p1 =	sge.u32 s31, s8  }
.Ltmp2:
0x28: {  	_ = 	snop;
	(pc) =	sbr.rel @p1 .LBB2_7-.Ltmp2, $1  }
0x29: {  	_ =	sdelay $0x3  }
0x2a: {  	s14 =	simm.s32 $0x1  }
0x2b: {  	s14 =	simm.s32 @!p0 $0x0  }
0x2c: {  	s15 =	smul.u32 $0x140, s14  }
0x2d: {  	_ =	swait.ge [sflag:s7], $0x50  }
0x2e: {  	[sflag:s7] =	ssyncset.done $0x0;
	s16 =	sshrl.u32 s15, $0x2  }
0x2f: {  	[sflag:s7] =	ssyncadd.s32 $0xFFFFFFB0;
	s15 =	sadd.s32 $0x0, s16  }
0x30: {  	v0 =	vld.msk [tilespmem:s15+$0x0 ss:$0x1], $0xffff;
	_ =	sdelay $0x4  }
0x31: {  	v1 =	vand.u32 $0x3, v0;
	v2 =	vshll.u32 v0, $0x5  }
0x32: {  	vm2 =	veq.s32 v0, $0x80000000;
	v0 =	vmul.u32 $0x271000, v1;
	v1 =	vand.u32 $0x3FFF80, v2  }
0x33: {  	v1 =	vsel vm2, $0xFFFFFF80, v1  }
0x34: {  	v0 =	vsel vm2, $0xFFD8F000, v0;
	v2 =	vand.u32 $0xFFFFFC00, v1  }
0x35: {  	v1 =	vand.u32 $0x380, v1;
	v0 =	vadd.s32 v0, v2  }
0x36: {  	v0 =	vor.u32 v1, v0  }
0x37: {  	v0 =	vshrl.u32 v0, $0x3  }
0x38: {  	s14 =	smul.u32 $0xA000, s14;
	_ =	sdelay $0x1  }
0x39: {  	s14 =	sshrl.u32 s14, $0x2  }
0x3a: {  	s14 =	sor.u32 $0xA0, s14  }
0x3b: {  	[tilespmem:s14], [sflag:$0x1] =	stream.indirect_vreg.gather [hbm:s4], $0x80, v0, vm0, $0x38;
	[tilespmem:$0x50A0] =	vst v63  }
0x3c: {  	s17 =	sadd.s32 $0x10, s16;
	s15 =	sadd.s32 $0x400, s14  }
0x3d: {  	[tilespmem:s15], [sflag:$0x1] =	stream.indirect_vreg.gather [hbm:s4], $0x80, v0, vm1, $0x38;
	[tilespmem:$0x50A0] =	vst v63  }
0x3e: {  	s18 =	simm.s32 $0x80;
	v0 =	vld.msk [tilespmem:s17+$0x0 ss:$0x1], $0xffff;
	s17 =	smov.u32 s14  }
.LBB2_3:
0x3f: {  	p1 =	sne.s32 s18, $0x100;
	_ =	sdelay $0x4  }
0x40: {  	v1 =	vand.u32 $0x3, v0;
	v2 =	vshll.u32 v0, $0x5  }
0x41: {  	vm2 =	veq.s32 v0, $0x80000000;
	v0 =	vmul.u32 $0x271000, v1;
	v1 =	vand.u32 $0x3FFF80, v2  }
0x42: {  	v1 =	vsel vm2, $0xFFFFFF80, v1  }
0x43: {  	v0 =	vsel vm2, $0xFFD8F000, v0;
	v2 =	vand.u32 $0xFFFFFC00, v1  }
0x44: {  	v1 =	vand.u32 $0x380, v1;
	v0 =	vadd.s32 v0, v2  }
0x45: {  	v0 =	vor.u32 v1, v0  }
0x46: {  	v0 =	vshrl.u32 v0, $0x3;
	_ =	sdelay $0x3  }
.Ltmp3:
0x47: {  	s19 =	sshra.s32 s18, $0x2;
	s17 =	sadd.s32 $0x800, s17;
	(pc) =	sbr.rel @p1 .LBB2_3-.Ltmp3, $4  }
0x48: {  	[tilespmem:s17], [sflag:$0x1] =	stream.indirect_vreg.gather [hbm:s4], $0x80, v0, vm0, $0x38;
	[tilespmem:$0x50A0] =	vst v63  }
0x49: {  	s19 =	sadd.s32 s19, s16;
	s20 =	sadd.s32 $0x400, s17  }
0x4a: {  	[tilespmem:s20], [sflag:$0x1] =	stream.indirect_vreg.gather [hbm:s4], $0x80, v0, vm1, $0x38;
	[tilespmem:$0x50A0] =	vst v63  }
0x4b: {  	s18 =	sadd.s32 $0x40, s18;
	v0 =	vld.msk [tilespmem:s19+$0x0 ss:$0x1], $0xffff  }
0x4c: {  	_ =	sdelay $0x3  }
0x4d: {  	v1 =	vand.u32 $0x3, v0;
	v2 =	vshll.u32 v0, $0x5  }
0x4e: {  	vm2 =	veq.s32 v0, $0x80000000;
	v61 =	vmul.u32 $0x271000, v1;
	v62 =	vand.u32 $0x3FFF80, v2  }
0x4f: {  	v1 =	vsel vm2, $0xFFFFFF80, v62  }
0x50: {  	v0 =	vsel vm2, $0xFFD8F000, v61;
	v63 =	vand.u32 $0xFFFFFC00, v1  }
0x51: {  	v1 =	vand.u32 $0x380, v1;
	v0 =	vadd.s32 v0, v63  }
0x52: {  	v0 =	vor.u32 v1, v0  }
0x53: {  	v0 =	vshrl.u32 v0, $0x3;
	_ =	sdelay $0x3  }
0x54: {  	s16 =	sadd.s32 $0x800, s17  }
0x55: {  	[tilespmem:s16], [sflag:$0x1] =	stream.indirect_vreg.gather [hbm:s4], $0x80, v0, vm0, $0x38;
	[tilespmem:$0x50A0] =	vst v63  }
0x56: {  	s16 =	sadd.s32 $0x400, s16  }
0x57: {  	[tilespmem:s16], [sflag:$0x1] =	stream.indirect_vreg.gather [hbm:s4], $0x80, v0, vm1, $0x38;
	[tilespmem:$0x50A0] =	vst v63  }
0x58: {  	s13 =	sshll.u32 s13, $0x4;
	_ =	swait.ge [sflag:s6], $0x2800  }
0x59: {  	s13 =	sadd.s32 s13, s9;
	[sflag:s6] =	ssyncset.done $0x0  }
0x5a: {  	s17 =	sadd.s32 $0x0, s13;
	s16 =	simm.s32 $0x80;
	[sflag:s6] =	ssyncadd.s32 $0xFFFFD800  }
.LBB2_5:
0x5b: {  	[hbm:s17] =	stream.linear.scatter [tilespmem:s14], [sflag:$0x3], $0x400, $0x38;
	[tilespmem:$0x50A0] =	vst v63  }
0x5c: {  	s17 =	smov.u32 s16;
	s14 =	smov.u32 s15;
	p1 =	sne.s32 s16, $0x480  }
.Ltmp4:
0x5d: {  	s16 =	sadd.s32 $0x80, s16;
	(pc) =	sbr.rel @p1 .LBB2_5-.Ltmp4, $2  }
0x5e: {  	_ =	sdelay $0x2  }
0x5f: {  	s15 =	sadd.s32 $0x400, s15;
	s17 =	sadd.s32 s17, s13  }
.Ltmp5:
0x60: {  	_ = 	snop;
	(pc) =	sbr.rel .LBB2_6-.Ltmp5, $1  }
0x61: {  	_ =	sdelay $0x3  }
.LBB2_8:
0x62: {  	_ =	sfence.sel $0x180000  }
0x63: {  	s2 =	simm.s32 $0x2;
	[bflag:$0x0] =	sbarrier.arrive $0xFFFF  }
0x64: {  	s30 =	simm.s32 $0x3;
	[sflag:s2] =	ssyncpa.u1 $0x1  }
0x65: {  	s31 =	simm.s32 $0x1;
	[sflag:s30] =	ssyncpa.u1 $0x1  }
0x66: {  	[sflag:s31] =	ssyncpa.u1 $0x1  }
0x67: {  	p0 =	sne.s32 s0, $0x0;
	_ =	strace $0x90000050  }
0x68: {  	s0 =	sadd.s32 @!p0 $0x100000, s1;
	[bflag:$0x2] =	sbarrier.arrive $0xFFFF  }
0x69: {  	[sflag:s0] =	ssyncadd.tile.s32 @!p0 $0x1;
	_ =	shalt  }
.Lfunc_end2:
_tile_overlayer_lowered:
.L_overlay_start_2:
0x6a: {  	(tag) =	ssettag $0x2  }
0x6b: {  	s0 =	rddreg [dreg:$0x0];
	s2 =	stileid.u32  }
0x6c: {  	s1 =	rddreg [dreg:$0x1];
	p0 =	sne.s32 s2, $0x0  }
0x6d: {  	s3 =	rddreg [dreg:$0x2];
	[bflag:$0x3] =	sbarrier.arrive $0xFFFF;
	s2 =	simm.s32 @!p0 $0x1C01  }
0x6e: {  	[timem:s3], [sflag:s2] =	dma.local @!p0 [hbm:s0], s1  }
0x6f: {  	s0 =	simm.s32 @!p0 $0x1  }
0x70: {  	_ =	swait.ge @!p0 [sflag:s0], s1  }
0x71: {  	s1 =	ssub.s32 @!p0 $0x0, s1;
	[sflag:s0] =	ssyncset.done @!p0 $0x0  }
0x72: {  	[sflag:s0] =	ssyncadd.s32 @!p0 s1  }
0x73: {  	[bflag:$0x3] =	sbarrier.arrive $0xFFFF  }
0x74: {  	_ =	shalt  }

// kernel: gather_offload_async_start
scs
__scs_entry_jumppad:
0x0: {  	(pc) =	sbr.rel $0x88, $3  }
0x1: {  	(tag) =	ssettag $0x0;
	lr =	simm.s32 $0x1  }
0x2: {  	[smem:$0x3F9C] =	sst lr;
	_ =	strace $0xD0000000  }
0x3: {  	_ = 	snop  }
0x4: {  	_ = 	snop  }
0x5: {  	_ = 	snop  }
0x6: {  	_ = 	snop  }
0x7: {  	_ = 	snop  }
__scs_overlays_trampoline_lowered:
0x8: {  	[smem:$0x3FAB] =	sst s0  }
0x9: {  	[smem:$0x3FAC] =	sst s1  }
0xa: {  	[smem:$0x3FAD] =	sst s2  }
0xb: {  	[smem:$0x3FAE] =	sst s3  }
0xc: {  	[smem:$0x3FAF] =	sst s4  }
0xd: {  	[smem:$0x3FB0] =	sst s5  }
0xe: {  	[smem:$0x3FB1] =	sst s6  }
0xf: {  	[smem:$0x3FB2] =	sst s7  }
0x10: {  	[smem:$0x3FB3] =	sst s8  }
0x11: {  	[smem:$0x3FB4] =	sst s9;
	s0 =	simm.s32 @!p0 $0x0  }
0x12: {  	s1 =	sld [smem:$0x3F9A];
	s0 =	simm.s32 @p0 $0x1  }
0x13: {  	[smem:$0x3FB5] =	sst s0;
	s0 =	simm.s32 @!p1 $0x0  }
0x14: {  	s2 =	sld [smem:$0x3F99];
	s0 =	simm.s32 @p1 $0x1  }
0x15: {  	[smem:$0x3FB6] =	sst s0;
	s0 =	simm.s32 @!p2 $0x0  }
0x16: {  	s3 =	sld [smem:$0x3FDB];
	s0 =	simm.s32 @p2 $0x1  }
0x17: {  	s4 =	simm.s32 $0x1BF5;
	[smem:$0x3FB8] =	sst s0  }
0x18: {  	s0 =	sld [smem:$0x3F9B];
	_ =	swait.ge [sflag:s4], $0x0  }
0x19: {  	s7 =	sld [smem:$0x3F9C]  }
0x1a: {  	s8 =	sadd.s32 $0xFFFFE003, lr  }
0x1b: {  	s9 =	sadd.s32 $0xFFFFFEF7, lr;
	s5 =	simm.s32 $0xFFFFFFFF;
	p2 =	slt.u32 s8, $0xFFFFF086  }
0x1c: {  	p1 =	slt.u32 s9, $0xF7A;
	s5 =	simm.s32 @!p2 $0x0  }
0x1d: {  	s5 =	simm.s32 @p1 $0x1;
	p0 =	seq.s32 s7, s2  }
0x1e: {  	s7 =	smul.u32 @!p0 $0xF7A, s2;
	p2 =	seq.s32 @!p0 s5, $0x0  }
0x1f: {  	s9 =	smul.u32 $0xF7A, s1;
	s8 =	simm.s32 @!p0 $0x1BF5;
	p2 =	por !p2, p0  }
0x20: {  	[sflag:s8] =	ssyncset.s32 @!p0 $0xFFFFF086;
	s6 =	sadd.s32 @!p0 s3, s7;
	s7 =	simm.s32 @!p0 $0x108  }
0x21: {  	s3 =	sadd.s32 s3, s9;
	s6 =	sadd.s32 @!p0 $0x88, s6;
	s7 =	simm.s32 @p2 $0x1082  }
0x22: {  	[simem:s7], [sflag:s8] =	dma.local @!p0 [hbm:s6], $0xF7A  }
0x23: {  	s9 =	sor.u32 $0xD0000000, s2;
	s6 =	simm.s32 $0x108;
	_ =	swait.ge @!p0 [sflag:s8], $0x0  }
0x24: {  	s3 =	sadd.s32 $0x88, s3;
	s6 =	simm.s32 @!p1 $0x1082;
	[sflag:s4] =	ssyncset.s32 $0xFFFFF086  }
0x25: {  	[simem:s6], [sflag:s4] =	dma.local [hbm:s3], $0xF7A  }
0x26: {  	[smem:$0x3F9C] =	sst s1;
	(tag) =	ssettag s2;
	_ =	strace s9  }
0x27: {  	s1 =	sld [smem:$0x3FAC]  }
0x28: {  	s2 =	sld [smem:$0x3FAD]  }
0x29: {  	s4 =	sld [smem:$0x3FAF]  }
0x2a: {  	p0 =	seq.s32 s5, $0x0;
	s5 =	sld [smem:$0x3FB0]  }
0x2b: {  	s6 =	sld [smem:$0x3FB1]  }
0x2c: {  	s7 =	sld [smem:$0x3FB2]  }
0x2d: {  	s3 =	simm.s32 $0x108;
	s8 =	sld [smem:$0x3FB3]  }
0x2e: {  	s3 =	simm.s32 @!p0 $0x1082;
	s9 =	sld [smem:$0x3FB4]  }
0x2f: {  	lr =	sadd.s32 s0, s3;
	s0 =	sld [smem:$0x3FAB]  }
0x30: {  	s3 =	sld [smem:$0x3FAE]  }
0x31: {  	[smem:$0x3FB7] =	sst s10  }
0x32: {  	s10 =	sld [smem:$0x3FB5];
	_ =	sdelay $0x3  }
0x33: {  	p0 =	seq.s32 s10, $0x1;
	s10 =	sld [smem:$0x3FB7];
	_ =	sdelay $0x3  }
0x34: {  	[smem:$0x3FB7] =	sst s10  }
0x35: {  	s10 =	sld [smem:$0x3FB6];
	_ =	sdelay $0x3  }
0x36: {  	p1 =	seq.s32 s10, $0x1;
	s10 =	sld [smem:$0x3FB7];
	_ =	sdelay $0x3  }
0x37: {  	[smem:$0x3FB7] =	sst s10  }
0x38: {  	s10 =	sld [smem:$0x3FB8]  }
0x39: {  	_ = 	snop;
	(pc) =	sbr.ind lr, $3  }
0x3a: {  	_ = 	snop  }
0x3b: {  	_ = 	snop  }
0x3c: {  	p2 =	seq.s32 s10, $0x1;
	s10 =	sld [smem:$0x3FB7]  }
0x3d: {  	_ =	shalt  }
0x3e: {  	_ =	shalt  }
0x3f: {  	_ =	shalt  }
0x40: {  	_ =	shalt  }
0x41: {  	_ =	shalt  }
0x42: {  	_ =	shalt  }
0x43: {  	_ =	shalt  }
0x44: {  	_ =	shalt  }
0x45: {  	_ =	shalt  }
0x46: {  	_ =	shalt  }
0x47: {  	_ =	shalt  }
0x48: {  	_ =	shalt  }
0x49: {  	_ =	shalt  }
0x4a: {  	_ =	shalt  }
0x4b: {  	_ =	shalt  }
0x4c: {  	_ =	shalt  }
0x4d: {  	_ =	shalt  }
0x4e: {  	_ =	shalt  }
0x4f: {  	_ =	shalt  }
0x50: {  	_ =	shalt  }
0x51: {  	_ =	shalt  }
0x52: {  	_ =	shalt  }
0x53: {  	_ =	shalt  }
0x54: {  	_ =	shalt  }
0x55: {  	_ =	shalt  }
0x56: {  	_ =	shalt  }
0x57: {  	_ =	shalt  }
0x58: {  	_ =	shalt  }
0x59: {  	_ =	shalt  }
0x5a: {  	_ =	shalt  }
0x5b: {  	_ =	shalt  }
0x5c: {  	_ =	shalt  }
0x5d: {  	_ =	shalt  }
0x5e: {  	_ =	shalt  }
0x5f: {  	_ =	shalt  }
0x60: {  	_ =	shalt  }
0x61: {  	_ =	shalt  }
0x62: {  	_ =	shalt  }
0x63: {  	_ =	shalt  }
0x64: {  	_ =	shalt  }
0x65: {  	_ =	shalt  }
0x66: {  	_ =	shalt  }
0x67: {  	_ =	shalt  }
0x68: {  	_ =	shalt  }
0x69: {  	_ =	shalt  }
0x6a: {  	_ =	shalt  }
0x6b: {  	_ =	shalt  }
0x6c: {  	_ =	shalt  }
0x6d: {  	_ =	shalt  }
0x6e: {  	_ =	shalt  }
0x6f: {  	_ =	shalt  }
0x70: {  	_ =	shalt  }
0x71: {  	_ =	shalt  }
0x72: {  	_ =	shalt  }
0x73: {  	_ =	shalt  }
0x74: {  	_ =	shalt  }
0x75: {  	_ =	shalt  }
0x76: {  	_ =	shalt  }
0x77: {  	_ =	shalt  }
0x78: {  	_ =	shalt  }
0x79: {  	_ =	shalt  }
0x7a: {  	_ =	shalt  }
0x7b: {  	_ =	shalt  }
0x7c: {  	_ =	shalt  }
0x7d: {  	_ =	shalt  }
0x7e: {  	_ =	shalt  }
0x7f: {  	_ =	shalt  }
0x80: {  	_ =	shalt  }
0x81: {  	_ =	shalt  }
0x82: {  	_ =	shalt  }
0x83: {  	_ =	shalt  }
0x84: {  	_ =	shalt  }
0x85: {  	_ =	shalt  }
0x86: {  	_ =	shalt  }
0x87: {  	_ =	shalt  }
.Lfunc_end0:
.L_simem_size_0:
called_computation_lowered:
.L_overlay_start_0:
0x88: {  	s2 =	sld [smem:$0x3FD9]  }
0x89: {  	s3 =	sld [smem:$0x3FFE];
	_ =	sdelay $0x1  }
0x8a: {  	s1 =	srdreg.scid  }
0x8b: {  	s0 =	sand.u32 $0x1, s1  }
0x8c: {  	s16 =	sshll.u32 s0, $0xA;
	s2 =	sadd.s32 s3, s2  }
0x8d: {  	s2 =	sadd.s32 s2, s16  }
0x8e: {  	[smem:$0x3FC3] =	sst s2  }
0x8f: {  	_ = 	snop  }
0x90: {  	(tm) =	ssettm $0x1  }
0x91: {  	s17 =	sld [smem:$0x3FFB];
	_ =	sdelay $0x3  }
0x92: {  	_ =	strace s17  }
0x93: {  	s2 =	sld [smem:$0x3FFC];
	_ =	sdelay $0x3  }
0x94: {  	_ =	strace s2  }
0x95: {  	s2 =	sld [smem:$0x3FFD];
	_ =	sdelay $0x3  }
0x96: {  	_ =	strace s2  }
0x97: {  	_ =	strace $0x8FFFFFFF  }
0x98: {  	s18 =	sld [smem:$0x3FDB];
	_ =	sdelay $0x1  }
0x99: {  	s19 =	simm.s32 $_scs_section_size  }
0x9a: {  	s4 =	simm.s32 $_size__tile_overlayer_lowered;
	s5 =	simm.s32 $_tile_overlayer_lowered  }
0x9b: {  	s22 =	simm.s32 $0x1BFF;
	s21 =	sshll.u32 s5, $0x1;
	s2 =	sadd.s32 s19, s18  }
0x9c: {  	s6 =	simm.s32 $0x0;
	s20 =	sshll.u32 s4, $0x1;
	s4 =	sadd.s32 s21, s2  }
0x9d: {  	[timem:s6], [sflag:s22] =	dma.local [hbm:s4], s20  }
0x9e: {  	_ =	swait.ge [sflag:s22], s20  }
0x9f: {  	s3 =	ssub.s32 $0x0, s20;
	[sflag:s22] =	ssyncset.done $0x0  }
0xa0: {  	[sflag:s22] =	ssyncadd.s32 s3;
	_ =	sdelay $0x1  }
0xa1: {  	s23 =	simm.s32 $0x1B8B  }
0xa2: {  	_ =	swait.ge [sflag:s23], $0x1  }
0xa3: {  	[sflag:s23] =	ssyncset.done $0x0  }
0xa4: {  	s25 =	simm.s32 $0x1B8E;
	s24 =	sld [smem:$0x3FFE];
	[sflag:s23] =	ssyncadd.s32 $0xFFFFFFFF  }
0xa5: {  	s26 =	simm.s32 $execute0_lowered;
	[smem:$0x3FD2] =	sst s25  }
0xa6: {  	s4 =	sshll.u32 s26, $0x1;
	_ =	strace $0x8000004C;
	[dreg:$0x1] =	wrdreg $0xFFFFFFFF  }
0xa7: {  	s28 =	simm.s32 $_size_execute0_lowered;
	s2 =	sadd.s32 s2, s4;
	[dreg:$0x0] =	wrdreg $0x0  }
0xa8: {  	s4 =	sshll.u32 s28, $0x1;
	[dreg:$0x2] =	wrdreg s2  }
0xa9: {  	[dreg:$0x3] =	wrdreg s4  }
0xaa: {  	[dreg:$0x4] =	wrdreg $0xC0  }
0xab: {  	_ =	task [dreg:s6], $0x5FFFF  }
0xac: {  	[dreg:$0x1] =	wrdreg $0xFFFFFFFF  }
0xad: {  	[dreg:$0x0] =	wrdreg $0x60  }
0xae: {  	[dreg:$0x2] =	wrdreg s24  }
0xaf: {  	[dreg:$0x3] =	wrdreg $0x9  }
0xb0: {  	_ =	task.clear_ibuf [dreg:s6], $0x4FFFF;
	_ =	strace $0x9000004C  }
0xb1: {  	s29 =	simm.s32 $0x9;
	_ =	strace $0x8000004E  }
0xb2: {  	_ =	swait.ge [sflag:s29], $0x1  }
0xb3: {  	[sflag:s29] =	ssyncadd.s32 $0xFFFFFFFF  }
0xb4: {  	_ =	strace $0x9000004E  }
0xb5: {  	_ =	sfence  }
0xb6: {  	s30 =	sld [smem:$0x0];
	_ =	sdelay $0x2  }
0xb7: {  	s31 =	sshll.u32 s1, $0xD;
	s1 =	sshrl.u32 s1, $0x2  }
0xb8: {  	s3 =	sand.u32 $0x4000, s31;
	s1 =	sadd.s32 s1, s30  }
0xb9: {  	s0 =	sor.u32 s3, s0;
	s1 =	sshll.u32 s1, $0x11  }
0xba: {  	s0 =	sor.u32 s1, s0  }
0xbb: {  	s0 =	sadd.s32 $0x8F2B, s0  }
0xbc: {  	[sflag:s0] =	ssyncadd.remote.s32 $0x1  }
0xbd: {  	_ =	sfence.sel $0xFFFF  }
0xbe: {  	[dreg:$0x0] =	wrdreg $0xFFFFFFFF;
	(pc) =	sbr.abs _section_cstart, $3  }
0xbf: {  	[dreg:$0x1] =	wrdreg $0xFFFFFFFF  }
0xc0: {  	_ =	task.clear_ibuf [dreg:s6], $0x2FFFF;
	_ =	strace $0x9FFFFFFF  }
0xc1: {  	(tm) =	ssettm $0x7FFFFFFF  }
tec
execute0_lowered:
.L_overlay_start_1:
0x0: {  	(tag) =	ssettag $0x1  }
0x1: {  	s0 =	srdreg.scid  }
0x2: {  	s1 =	sshll.u32 s0, $0x4  }
0x3: {  	s0 =	stileid.u32;
	s1 =	sand.u32 $0x10, s1  }
0x4: {  	s1 =	sor.u32 s0, s1  }
0x5: {  	s2 =	smin.u32 s1, $0x12  }
0x6: {  	s2 =	sadd.s32 s1, s2  }
0x7: {  	p0 =	slt.u32 s1, $0x12;
	s1 =	simm.s32 $0xA0;
	s2 =	smul.u32 $0x50, s2  }
0x8: {  	s1 =	simm.s32 @!p0 $0x50  }
0x9: {  	s1 =	sadd.s32 s1, s2  }
0xa: {  	s3 =	smin.u32 s1, $0xFA0  }
0xb: {  	s7 =	ssub.s32 s3, s2  }
0xc: {  	p0 =	sgt.s32 s7, $0x0  }
0xd: {  	s7 =	simm.s32 @!p0 $0x0  }
0xe: {  	s31 =	smul.u32 $0xCCCD, s7  }
0xf: {  	s4 =	rddreg [dreg:$0x0];
	s6 =	simm.s32 $0x1  }
0x10: {  	s10 =	simm.s32 $0x3;
	s13 =	simm.s32 $0x0;
	s8 =	sshrl.u32 s31, $0x16  }
0x11: {  	s12 =	simm.s32 $0x0;
	s5 =	sadd.s32 $0x138C00, s4;
	s9 =	smul.u32 $0x50, s8  }
.Ltmp0:
0x12: {  	s11 =	smov.u32 s2;
	s1 =	rddreg [dreg:$0x1];
	(pc) =	sbr.rel .LBB2_1-.Ltmp0, $4  }
0x13: {  	_ =	strace $0x8000004D;
	p0 =	sne.s32 s7, s9;
	s9 =	simm.s32 $0x1  }
0x14: {  	[sflag:s6] =	ssyncpa.u1 $0x0;
	s7 =	simm.s32 $0x2;
	s9 =	simm.s32 @!p0 $0x0  }
0x15: {  	[sflag:s7] =	ssyncpa.u1 $0x0;
	p0 =	por $0x0, $0x0;
	s8 =	sadd.s32 s8, s9  }
0x16: {  	vm0 =	vmmov $0xff;
	vm1 =	vcmask $0x3F20;
	s9 =	sadd.s32 $0x186E00, s4;
	[sflag:s10] =	ssyncpa.u1 $0x0;
	s10 =	sadd.s32 $0x1, s8  }
.LBB2_6:
0x17: {  	[hbm:s17] =	stream.linear.scatter [tilespmem:s14], [sflag:$0x3], $0x400, $0x38;
	[tilespmem:$0x50A0] =	vst v63  }
.LBB2_7:
0x18: {  	s13 =	sadd.s32 $0x50, s11  }
0x19: {  	s15 =	smov.u32 s2;
	p2 =	slt.s32 s13, s3  }
0x1a: {  	s15 =	smov.u32 @p2 s13;
	p2 =	sne.s32 s12, s10  }
.Ltmp1:
0x1b: {  	p1 =	slt.u32 s12, $0x2;
	(pc) =	sbr.rel @!p2 .LBB2_8-.Ltmp1, $4  }
0x1c: {  	s14 =	simm.s32 @!p1 $0x3  }
0x1d: {  	s16 =	sadd.s32 $0x1, s12;
	_ =	swait.ge @!p1 [sflag:s14], $0x2800  }
0x1e: {  	p0 =	por !p0, !p0;
	s13 =	smov.u32 s11;
	[sflag:s14] =	ssyncset.done @!p1 $0x0  }
0x1f: {  	s12 =	smov.u32 s16;
	s11 =	smov.u32 s15;
	[sflag:s14] =	ssyncadd.s32 @!p1 $0xFFFFD800  }
.LBB2_1:
0x20: {  	p1 =	sge.u32 s12, s8  }
0x21: {  	s14 =	sxor.u32 @!p1 $0xFFFFFFFF, s12  }
0x22: {  	s14 =	sand.u32 @!p1 $0x1, s14  }
0x23: {  	s14 =	smul.u32 @!p1 $0x140, s14  }
0x24: {  	s31 =	sadd.s32 $0xFFFFFFFF, s12;
	s15 =	sshrl.u32 @!p1 s11, $0x3  }
0x25: {  	s16 =	sand.u32 @!p1 $0x7, s11;
	s15 =	sadd.s32 @!p1 s4, s15;
	s14 =	sshrl.u32 @!p1 s14, $0x2  }
0x26: {  	[tilespmem:s14], [sflag:$0x2] =	stream.linear.gather @!p1 [hbm4b:s15+s16], $0x50, $0x38;
	[tilespmem:$0x50A0] =	vst v63  }
0x27: {  	p1 =	sge.u32 s31, s8  }
.Ltmp2:
0x28: {  	_ = 	snop;
	(pc) =	sbr.rel @p1 .LBB2_7-.Ltmp2, $1  }
0x29: {  	_ =	sdelay $0x3  }
0x2a: {  	s14 =	simm.s32 $0x1  }
0x2b: {  	s14 =	simm.s32 @!p0 $0x0  }
0x2c: {  	s15 =	smul.u32 $0x140, s14  }
0x2d: {  	_ =	swait.ge [sflag:s7], $0x50  }
0x2e: {  	[sflag:s7] =	ssyncset.done $0x0;
	s16 =	sshrl.u32 s15, $0x2  }
0x2f: {  	[sflag:s7] =	ssyncadd.s32 $0xFFFFFFB0;
	s15 =	sadd.s32 $0x0, s16  }
0x30: {  	v0 =	vld.msk [tilespmem:s15+$0x0 ss:$0x1], $0xffff;
	_ =	sdelay $0x4  }
0x31: {  	vm2 =	vgt.s32 v0, $0x0  }
0x32: {  	v0 =	vnsel vm2, $0x0, v0  }
0x33: {  	v0 =	vmin.u32 v0, $0x4E1F  }
0x34: {  	v0 =	vshll.u32 v0, $0x4  }
0x35: {  	s14 =	smul.u32 $0xA000, s14;
	_ =	sdelay $0x1  }
0x36: {  	s14 =	sshrl.u32 s14, $0x2  }
0x37: {  	s14 =	sor.u32 $0xA0, s14  }
0x38: {  	[tilespmem:s14], [sflag:$0x1] =	stream.indirect_vreg.gather [hbm:s5], $0x80, v0, vm0, $0x38;
	[tilespmem:$0x50A0] =	vst v63  }
0x39: {  	s17 =	sadd.s32 $0x10, s16;
	s15 =	sadd.s32 $0x400, s14  }
0x3a: {  	[tilespmem:s15], [sflag:$0x1] =	stream.indirect_vreg.gather [hbm:s5], $0x80, v0, vm1, $0x38;
	[tilespmem:$0x50A0] =	vst v63  }
0x3b: {  	s18 =	simm.s32 $0x80;
	v0 =	vld.msk [tilespmem:s17+$0x0 ss:$0x1], $0xffff;
	s17 =	smov.u32 s14  }
.LBB2_3:
0x3c: {  	p1 =	sne.s32 s18, $0x100;
	_ =	sdelay $0x4  }
0x3d: {  	vm2 =	vgt.s32 v0, $0x0  }
0x3e: {  	v0 =	vnsel vm2, $0x0, v0  }
0x3f: {  	v0 =	vmin.u32 v0, $0x4E1F  }
0x40: {  	v0 =	vshll.u32 v0, $0x4;
	_ =	sdelay $0x3  }
.Ltmp3:
0x41: {  	s19 =	sshra.s32 s18, $0x2;
	s17 =	sadd.s32 $0x800, s17;
	(pc) =	sbr.rel @p1 .LBB2_3-.Ltmp3, $4  }
0x42: {  	[tilespmem:s17], [sflag:$0x1] =	stream.indirect_vreg.gather [hbm:s5], $0x80, v0, vm0, $0x38;
	[tilespmem:$0x50A0] =	vst v63  }
0x43: {  	s19 =	sadd.s32 s19, s16;
	s20 =	sadd.s32 $0x400, s17  }
0x44: {  	[tilespmem:s20], [sflag:$0x1] =	stream.indirect_vreg.gather [hbm:s5], $0x80, v0, vm1, $0x38;
	[tilespmem:$0x50A0] =	vst v63  }
0x45: {  	s18 =	sadd.s32 $0x40, s18;
	v0 =	vld.msk [tilespmem:s19+$0x0 ss:$0x1], $0xffff  }
0x46: {  	_ =	sdelay $0x3  }
0x47: {  	vm2 =	vgt.s32 v0, $0x0  }
0x48: {  	v0 =	vnsel vm2, $0x0, v0  }
0x49: {  	v0 =	vmin.u32 v0, $0x4E1F  }
0x4a: {  	v0 =	vshll.u32 v0, $0x4;
	_ =	sdelay $0x3  }
0x4b: {  	s16 =	sadd.s32 $0x800, s17  }
0x4c: {  	[tilespmem:s16], [sflag:$0x1] =	stream.indirect_vreg.gather [hbm:s5], $0x80, v0, vm0, $0x38;
	[tilespmem:$0x50A0] =	vst v63  }
0x4d: {  	s16 =	sadd.s32 $0x400, s16  }
0x4e: {  	[tilespmem:s16], [sflag:$0x1] =	stream.indirect_vreg.gather [hbm:s5], $0x80, v0, vm1, $0x38;
	[tilespmem:$0x50A0] =	vst v63  }
0x4f: {  	s13 =	sshll.u32 s13, $0x4;
	_ =	swait.ge [sflag:s6], $0x2800  }
0x50: {  	s13 =	sadd.s32 s13, s9;
	[sflag:s6] =	ssyncset.done $0x0  }
0x51: {  	s17 =	sadd.s32 $0x0, s13;
	s16 =	simm.s32 $0x80;
	[sflag:s6] =	ssyncadd.s32 $0xFFFFD800  }
.LBB2_5:
0x52: {  	[hbm:s17] =	stream.linear.scatter [tilespmem:s14], [sflag:$0x3], $0x400, $0x38;
	[tilespmem:$0x50A0] =	vst v63  }
0x53: {  	s17 =	smov.u32 s16;
	s14 =	smov.u32 s15;
	p1 =	sne.s32 s16, $0x480  }
.Ltmp4:
0x54: {  	s16 =	sadd.s32 $0x80, s16;
	(pc) =	sbr.rel @p1 .LBB2_5-.Ltmp4, $2  }
0x55: {  	_ =	sdelay $0x2  }
0x56: {  	s15 =	sadd.s32 $0x400, s15;
	s17 =	sadd.s32 s17, s13  }
.Ltmp5:
0x57: {  	_ = 	snop;
	(pc) =	sbr.rel .LBB2_6-.Ltmp5, $1  }
0x58: {  	_ =	sdelay $0x3  }
.LBB2_8:
0x59: {  	_ =	sfence.sel $0x180000  }
0x5a: {  	s2 =	simm.s32 $0x2;
	[bflag:$0x0] =	sbarrier.arrive $0xFFFF  }
0x5b: {  	s30 =	simm.s32 $0x3;
	[sflag:s2] =	ssyncpa.u1 $0x1  }
0x5c: {  	s31 =	simm.s32 $0x1;
	[sflag:s30] =	ssyncpa.u1 $0x1  }
0x5d: {  	[sflag:s31] =	ssyncpa.u1 $0x1  }
0x5e: {  	p0 =	sne.s32 s0, $0x0;
	_ =	strace $0x9000004D  }
0x5f: {  	s0 =	sadd.s32 @!p0 $0x100000, s1;
	[bflag:$0x2] =	sbarrier.arrive $0xFFFF  }
0x60: {  	[sflag:s0] =	ssyncadd.tile.s32 @!p0 $0x1;
	_ =	shalt  }
.Lfunc_end2:
_tile_overlayer_lowered:
.L_overlay_start_2:
0x61: {  	(tag) =	ssettag $0x2  }
0x62: {  	s0 =	rddreg [dreg:$0x0];
	s2 =	stileid.u32  }
0x63: {  	s1 =	rddreg [dreg:$0x1];
	p0 =	sne.s32 s2, $0x0  }
0x64: {  	s3 =	rddreg [dreg:$0x2];
	[bflag:$0x3] =	sbarrier.arrive $0xFFFF;
	s2 =	simm.s32 @!p0 $0x1C01  }
0x65: {  	[timem:s3], [sflag:s2] =	dma.local @!p0 [hbm:s0], s1  }
0x66: {  	s0 =	simm.s32 @!p0 $0x1  }
0x67: {  	_ =	swait.ge @!p0 [sflag:s0], s1  }
0x68: {  	s1 =	ssub.s32 @!p0 $0x0, s1;
	[sflag:s0] =	ssyncset.done @!p0 $0x0  }
0x69: {  	[sflag:s0] =	ssyncadd.s32 @!p0 s1  }
0x6a: {  	[bflag:$0x3] =	sbarrier.arrive $0xFFFF  }
0x6b: {  	_ =	shalt  }

</sc_bundles>
